<compile_context>
chip_gen: v7x
topology: tpu7x:2x2x1
jax: 0.10.2.dev20260603
libtpu: 0.0.44.dev20260713+nightly
codegen_flags: <defaults>
</compile_context>

<pallas_src>
import functools

import jax
import jax.numpy as jnp
from jax import lax
from jax.experimental import pallas as pl
from jax.experimental.pallas import tpu as pltpu
from jax.experimental.pallas import tpu_sc as plsc

N = 10000
E = 320000
D_IN = 128
H = 64
PH = 128

NC = 2
NS = 16
NW = NC * NS

CH = 128
NCH = 80
NBUF = 4
E_PAD = NW * NCH * CH
NP = ((N + NS * 8 - 1) // (NS * 8)) * (NS * 8)
RPT = NP // NS


def _tc_pre(x_ref, wg_ref, wr_ref, br_ref, xw_ref, r_ref):
    x = x_ref[...]
    xw_ref[...] = jnp.dot(x, wg_ref[...], preferred_element_type=jnp.float32)
    r_ref[...] = jnp.maximum(
        jnp.dot(x, wr_ref[...], preferred_element_type=jnp.float32) + br_ref[...], 0.0)


def _tc_mid(aggp_ref, r1_ref, bg_ref, g_ref, be_ref, wg2_ref, wr2_ref, br2_ref,
            xw2_ref, r2_ref):
    agg = aggp_ref[0, :N, :] + aggp_ref[1, :N, :]
    h1 = g_ref[...] * (jnp.maximum(agg + bg_ref[...], 0.0) + r1_ref[...]) + be_ref[...]
    xw2_ref[...] = jnp.dot(h1, wg2_ref[...], preferred_element_type=jnp.float32)
    r2_ref[...] = jnp.maximum(
        jnp.dot(h1, wr2_ref[...], preferred_element_type=jnp.float32) + br2_ref[...], 0.0)


def _tc_post(aggp_ref, r2_ref, bg_ref, g_ref, be_ref, waw_ref, baw_ref,
             wp1_ref, bp1_ref, gp_ref, bep_ref, wp2_ref, bp2_ref,
             pred_ref, gf_ref):
    agg = aggp_ref[0, :N, :] + aggp_ref[1, :N, :]
    h = g_ref[...] * (jnp.maximum(agg + bg_ref[...], 0.0) + r2_ref[...]) + be_ref[...]
    w = jax.nn.sigmoid(jnp.sum(h * waw_ref[...], axis=1, keepdims=True) + baw_ref[0, 0])
    hsum = jnp.sum(h * w, axis=0, keepdims=True)
    hmax = jnp.max(h, axis=0, keepdims=True)
    gf = jnp.concatenate([hsum, hmax], axis=1)
    gf_ref[...] = gf
    z = jnp.maximum(
        jnp.dot(gf, wp1_ref[...], preferred_element_type=jnp.float32) + bp1_ref[...], 0.0)
    z = gp_ref[...] * z + bep_ref[...]
    pred_ref[...] = jnp.sum(z * wp2_ref[...], axis=1, keepdims=True) + bp2_ref[0, 0]


@functools.lru_cache(maxsize=None)
def _make_sc_agg():
    @functools.partial(
        pl.kernel,
        out_type=jax.ShapeDtypeStruct((NC, NP, H), jnp.float32),
        mesh=plsc.VectorSubcoreMesh(core_axis_name="c", subcore_axis_name="s",
                                    num_cores=NC, num_subcores=NS),
        scratch_types=[
            pltpu.VMEM((NCH, CH), jnp.int32),
            pltpu.VMEM((NCH, CH), jnp.int32),
            [pltpu.VMEM((CH, H), jnp.float32)] * NBUF,
            pltpu.VMEM_SHARED((NP, H), jnp.float32),
            [pltpu.SemaphoreType.DMA] * NBUF,
            [pltpu.SemaphoreType.DMA] * NBUF,
        ],
        compiler_params=pltpu.CompilerParams(use_tc_tiling_on_sc=False),
    )
    def _sc_agg(xw_hbm, src_hbm, dst_hbm, zeros_hbm, out_hbm,
                src_v, dst_v, bufs, acc_sh, sgs, sss):
        c = lax.axis_index("c")
        s = lax.axis_index("s")
        wid = s * NC + c
        pltpu.sync_copy(zeros_hbm.at[pl.ds(s * RPT, RPT)],
                        acc_sh.at[pl.ds(s * RPT, RPT)])
        pltpu.sync_copy(src_hbm.at[wid], src_v)
        pltpu.sync_copy(dst_hbm.at[wid], dst_v)
        plsc.subcore_barrier()

        def body(j, carry):
            pltpu.async_copy(xw_hbm.at[src_v.at[j]], bufs[0], sgs[0]).wait()
            return carry

        lax.fori_loop(0, NCH, body, 0)
        plsc.subcore_barrier()
        pltpu.sync_copy(acc_sh.at[pl.ds(s * RPT, RPT)],
                        out_hbm.at[c, pl.ds(s * RPT, RPT)])

    return _sc_agg


def kernel(x, edge_index, W_gc1, b_gc1, W_res1, b_res1, gamma1, beta1,
           W_gc2, b_gc2, W_res2, b_res2, gamma2, beta2, W_aw, b_aw,
           W_p1, b_p1, gamma_p, beta_p, W_p2, b_p2):
    src = edge_index[0]
    dst = edge_index[1]
    pad = E_PAD - E
    src3 = jnp.concatenate([src, jnp.zeros((pad,), jnp.int32)]).reshape(NW, NCH, CH)
    dst3 = jnp.concatenate([dst, jnp.full((pad,), N, jnp.int32)]).reshape(NW, NCH, CH)
    zeros_np = jnp.zeros((NP, H), jnp.float32)

    xw1, r1 = pl.pallas_call(
        _tc_pre,
        out_shape=[jax.ShapeDtypeStruct((N, H), jnp.float32),
                   jax.ShapeDtypeStruct((N, H), jnp.float32)],
    )(x, W_gc1, W_res1, b_res1.reshape(1, H))

    aggp1 = _make_sc_agg()(xw1, src3, dst3, zeros_np)

    xw2, r2 = pl.pallas_call(
        _tc_mid,
        out_shape=[jax.ShapeDtypeStruct((N, H), jnp.float32),
                   jax.ShapeDtypeStruct((N, H), jnp.float32)],
    )(aggp1, r1, b_gc1.reshape(1, H), gamma1.reshape(1, H), beta1.reshape(1, H),
      W_gc2, W_res2, b_res2.reshape(1, H))

    aggp2 = _make_sc_agg()(xw2, src3, dst3, zeros_np)

    pred, gf = pl.pallas_call(
        _tc_post,
        out_shape=[jax.ShapeDtypeStruct((1, 1), jnp.float32),
                   jax.ShapeDtypeStruct((1, 2 * H), jnp.float32)],
    )(aggp2, r2, b_gc2.reshape(1, H), gamma2.reshape(1, H), beta2.reshape(1, H),
      W_aw.reshape(1, H), b_aw.reshape(1, 1),
      W_p1, b_p1.reshape(1, PH), gamma_p.reshape(1, PH), beta_p.reshape(1, PH),
      W_p2.reshape(1, PH), b_p2.reshape(1, 1))

    return (pred, gf)

# --- scband reference (transcript-rebuilt; emitter-appended) ---
"""Pipeline reference for scband-gcnpredictor-24283745091795 (READ-ONLY COPY).

The authoritative reference and input builder live on the scoring server;
editing this copy changes nothing except your own understanding.
"""

import jax, jax.numpy as jnp
import numpy as np

N = 10000
E = 320000
D_IN = 128
H = 64
PH = 128

def _dense_init(key, fan_in, fan_out):
    return jax.random.normal(key, (fan_in, fan_out), dtype=jnp.float32) / np.sqrt(fan_in)

def setup_inputs(seed: int = 0):
    key = jax.random.key(seed)
    ks = jax.random.split(key, 12)
    inp = {}
    inp['x'] = jax.random.normal(ks[0], (N, D_IN), dtype=jnp.float32)
    inp['edge_index'] = jax.random.randint(ks[1], (2, E), 0, N, dtype=jnp.int32)
    # GCN layer 1 (dgllife GCNLayer: GraphConv(norm='none') + residual linear + batchnorm)
    inp['W_gc1'] = _dense_init(ks[2], D_IN, H)
    inp['b_gc1'] = jnp.zeros((H,), jnp.float32)
    inp['W_res1'] = _dense_init(ks[3], D_IN, H)
    inp['b_res1'] = jnp.zeros((H,), jnp.float32)
    inp['gamma1'] = jnp.ones((H,), jnp.float32)
    inp['beta1'] = jnp.zeros((H,), jnp.float32)
    # GCN layer 2
    inp['W_gc2'] = _dense_init(ks[4], H, H)
    inp['b_gc2'] = jnp.zeros((H,), jnp.float32)
    inp['W_res2'] = _dense_init(ks[5], H, H)
    inp['b_res2'] = jnp.zeros((H,), jnp.float32)
    inp['gamma2'] = jnp.ones((H,), jnp.float32)
    inp['beta2'] = jnp.zeros((H,), jnp.float32)
    # WeightedSumAndMax readout: atom weighting linear
    inp['W_aw'] = _dense_init(ks[6], H, 1)
    inp['b_aw'] = jnp.zeros((1,), jnp.float32)
    # MLPPredictor: Linear(2H, PH) -> ReLU -> BN -> Linear(PH, 1)
    inp['W_p1'] = _dense_init(ks[7], 2 * H, PH)
    inp['b_p1'] = jnp.zeros((PH,), jnp.float32)
    inp['gamma_p'] = jnp.ones((PH,), jnp.float32)
    inp['beta_p'] = jnp.zeros((PH,), jnp.float32)
    inp['W_p2'] = _dense_init(ks[8], PH, 1)
    inp['b_p2'] = jnp.zeros((1,), jnp.float32)
    return inp

def _gcn_layer(h, src, dst, Wg, bg, Wr, br, gamma, beta):
    # GraphConv norm='none': aggregate sum of transformed src feats at dst
    m = (h @ Wg)[src]
    agg = jnp.zeros((h.shape[0], Wg.shape[1]), jnp.float32).at[dst].add(m)
    new = jax.nn.relu(agg + bg)
    # residual branch: activation(Linear(h))
    new = new + jax.nn.relu(h @ Wr + br)
    # batchnorm in eval mode (running_mean=0, running_var=1): affine only
    return gamma * new + beta

def reference(x, edge_index, W_gc1, b_gc1, W_res1, b_res1, gamma1, beta1, W_gc2, b_gc2, W_res2, b_res2, gamma2, beta2, W_aw, b_aw, W_p1, b_p1, gamma_p, beta_p, W_p2, b_p2):
    src = edge_index[0]
    dst = edge_index[1]
    h = _gcn_layer(x, src, dst, W_gc1, b_gc1, W_res1, b_res1, gamma1, beta1)
    h = _gcn_layer(h, src, dst, W_gc2, b_gc2, W_res2, b_res2, gamma2, beta2)
    # WeightedSumAndMax readout over the (single) graph
    w = jax.nn.sigmoid(h @ W_aw + b_aw)
    h_sum = jnp.sum(h * w, axis=0, keepdims=True)
    h_max = jnp.max(h, axis=0, keepdims=True)
    graph_feats = jnp.concatenate([h_sum, h_max], axis=1)
    # MLPPredictor (dropout=0, BN eval mode)
    z = jax.nn.relu(graph_feats @ W_p1 + b_p1)
    z = gamma_p * z + beta_p
    pred = z @ W_p2 + b_p2
    return (pred, graph_feats)

if __name__ == "__main__":
    import jax
    _d = setup_inputs()
    print(jax.jit(kernel)(*tuple(_d.values())))

</pallas_src>

<mosaic_0001>
#map = affine_map<(d0, d1) -> (0, 0)>
#map1 = affine_map<(d0, d1) -> (0, 0, 0)>
module attributes {stable_mosaic.version = 14 : i64} {
  func.func @_sc_agg(%arg0: i32, %arg1: i32, %arg2: memref<10000x64xf32, #tpu.memory_space<hbm>>, %arg3: memref<32x80x128xi32, #tpu.memory_space<hbm>>, %arg4: memref<32x80x128xi32, #tpu.memory_space<hbm>>, %arg5: memref<10112x64xf32, #tpu.memory_space<hbm>>, %arg6: memref<2x10112x64xf32, #tpu.memory_space<hbm>>, %arg7: memref<80x128xi32, #tpu.memory_space<vmem>>, %arg8: memref<80x128xi32, #tpu.memory_space<vmem>>, %arg9: memref<128x64xf32, #tpu.memory_space<vmem>>, %arg10: memref<128x64xf32, #tpu.memory_space<vmem>>, %arg11: memref<128x64xf32, #tpu.memory_space<vmem>>, %arg12: memref<128x64xf32, #tpu.memory_space<vmem>>, %arg13: memref<10112x64xf32, #tpu.memory_space<vmem_shared>>, %arg14: memref<!tpu.dma_semaphore, #tpu.memory_space<semaphore_mem>>, %arg15: memref<!tpu.dma_semaphore, #tpu.memory_space<semaphore_mem>>, %arg16: memref<!tpu.dma_semaphore, #tpu.memory_space<semaphore_mem>>, %arg17: memref<!tpu.dma_semaphore, #tpu.memory_space<semaphore_mem>>, %arg18: memref<!tpu.dma_semaphore, #tpu.memory_space<semaphore_mem>>, %arg19: memref<!tpu.dma_semaphore, #tpu.memory_space<semaphore_mem>>, %arg20: memref<!tpu.dma_semaphore, #tpu.memory_space<semaphore_mem>>, %arg21: memref<!tpu.dma_semaphore, #tpu.memory_space<semaphore_mem>>) attributes {dimension_semantics = [#tpu.dimension_semantics<core_parallel>, #tpu.dimension_semantics<subcore_parallel>], iteration_bounds = array<i64: 2, 16>, scalar_prefetch = 0 : i64, scratch_operands = 15 : i64, tpu.core_type = #tpu.core_type<sc_vector_subcore>, window_params = [{transform_indices = #map}, {transform_indices = #map1}, {transform_indices = #map1}, {transform_indices = #map}, {transform_indices = #map1}]} {
    %mul3A = arith.constant 2 : i32
    %mul3A_0 = arith.muli %arg1, %mul3A : i32
    %add3A = arith.addi %mul3A_0, %arg0 : i32
    %mul3A_1 = arith.constant 632 : i32
    %mul3A_2 = arith.muli %arg1, %mul3A_1 : i32
    %mul3A_3 = arith.constant 632 : i32
    %mul3A_4 = arith.muli %arg1, %mul3A_3 : i32
    "tpu.region"() ({
      %run_scoped3A = tpu.sem_alloc : memref<!tpu.dma_semaphore, #tpu.memory_space<semaphore_mem>>
      %dma_start3A = arith.constant 0 : i32
      %dma_start3A_15 = tpu.memref_slice %arg13[%mul3A_4, %dma_start3A] : memref<10112x64xf32, #tpu.memory_space<vmem_shared>> -> memref<632x64xf32, #tpu.memory_space<vmem_shared>>
      %dma_start3A_16 = arith.constant 0 : i32
      %dma_start3A_17 = tpu.memref_slice %arg5[%mul3A_2, %dma_start3A_16] : memref<10112x64xf32, #tpu.memory_space<hbm>> -> memref<632x64xf32, #tpu.memory_space<hbm>>
      tpu.enqueue_dma source(%dma_start3A_17 : memref<632x64xf32, #tpu.memory_space<hbm>>) target(%dma_start3A_15 : memref<632x64xf32, #tpu.memory_space<vmem_shared>>) target_semaphore(%run_scoped3A : memref<!tpu.dma_semaphore, #tpu.memory_space<semaphore_mem>>)
      %dma_wait3A = arith.constant 0 : i32
      %dma_wait3A_18 = tpu.memref_slice %arg13[%mul3A_4, %dma_wait3A] : memref<10112x64xf32, #tpu.memory_space<vmem_shared>> -> memref<632x64xf32, #tpu.memory_space<vmem_shared>>
      %dma_wait3A_19 = arith.constant 0 : i32
      %dma_wait3A_20 = tpu.memref_slice %arg5[%mul3A_2, %dma_wait3A_19] : memref<10112x64xf32, #tpu.memory_space<hbm>> -> memref<632x64xf32, #tpu.memory_space<hbm>>
      tpu.wait_dma2 semaphore(%run_scoped3A : memref<!tpu.dma_semaphore, #tpu.memory_space<semaphore_mem>>) src(%dma_wait3A_20 : memref<632x64xf32, #tpu.memory_space<hbm>>) dst(%dma_wait3A_18 : memref<632x64xf32, #tpu.memory_space<vmem_shared>>)
      tpu.yield
    }) : () -> ()
    "tpu.region"() ({
      %run_scoped3A = tpu.sem_alloc : memref<!tpu.dma_semaphore, #tpu.memory_space<semaphore_mem>>
      %dma_start3A = arith.constant 0 : i32
      %dma_start3A_15 = arith.constant 0 : i32
      %dma_start3A_16 = tpu.memref_slice %arg3[%add3A, %dma_start3A, %dma_start3A_15] : memref<32x80x128xi32, #tpu.memory_space<hbm>> -> memref<1x80x128xi32, #tpu.memory_space<hbm>>
      %dma_start3A_17 = tpu.memref_squeeze %dma_start3A_16 : memref<1x80x128xi32, #tpu.memory_space<hbm>> -> memref<80x128xi32, #tpu.memory_space<hbm>>
      %dma_start3A_18 = arith.constant 0 : i32
      %dma_start3A_19 = arith.constant 0 : i32
      %dma_start3A_20 = tpu.memref_slice %arg3[%add3A, %dma_start3A_18, %dma_start3A_19] : memref<32x80x128xi32, #tpu.memory_space<hbm>> -> memref<1x80x128xi32, #tpu.memory_space<hbm>>
      %dma_start3A_21 = tpu.memref_squeeze %dma_start3A_20 : memref<1x80x128xi32, #tpu.memory_space<hbm>> -> memref<80x128xi32, #tpu.memory_space<hbm>>
      tpu.enqueue_dma source(%dma_start3A_21 : memref<80x128xi32, #tpu.memory_space<hbm>>) target(%arg7 : memref<80x128xi32, #tpu.memory_space<vmem>>) target_semaphore(%run_scoped3A : memref<!tpu.dma_semaphore, #tpu.memory_space<semaphore_mem>>)
      %dma_wait3A = arith.constant 0 : i32
      %dma_wait3A_22 = arith.constant 0 : i32
      %dma_wait3A_23 = tpu.memref_slice %arg3[%add3A, %dma_wait3A, %dma_wait3A_22] : memref<32x80x128xi32, #tpu.memory_space<hbm>> -> memref<1x80x128xi32, #tpu.memory_space<hbm>>
      %dma_wait3A_24 = tpu.memref_squeeze %dma_wait3A_23 : memref<1x80x128xi32, #tpu.memory_space<hbm>> -> memref<80x128xi32, #tpu.memory_space<hbm>>
      %dma_wait3A_25 = arith.constant 0 : i32
      %dma_wait3A_26 = arith.constant 0 : i32
      %dma_wait3A_27 = tpu.memref_slice %arg3[%add3A, %dma_wait3A_25, %dma_wait3A_26] : memref<32x80x128xi32, #tpu.memory_space<hbm>> -> memref<1x80x128xi32, #tpu.memory_space<hbm>>
      %dma_wait3A_28 = tpu.memref_squeeze %dma_wait3A_27 : memref<1x80x128xi32, #tpu.memory_space<hbm>> -> memref<80x128xi32, #tpu.memory_space<hbm>>
      tpu.wait_dma2 semaphore(%run_scoped3A : memref<!tpu.dma_semaphore, #tpu.memory_space<semaphore_mem>>) src(%dma_wait3A_28 : memref<80x128xi32, #tpu.memory_space<hbm>>) dst(%arg7 : memref<80x128xi32, #tpu.memory_space<vmem>>)
      tpu.yield
    }) : () -> ()
    "tpu.region"() ({
      %run_scoped3A = tpu.sem_alloc : memref<!tpu.dma_semaphore, #tpu.memory_space<semaphore_mem>>
      %dma_start3A = arith.constant 0 : i32
      %dma_start3A_15 = arith.constant 0 : i32
      %dma_start3A_16 = tpu.memref_slice %arg4[%add3A, %dma_start3A, %dma_start3A_15] : memref<32x80x128xi32, #tpu.memory_space<hbm>> -> memref<1x80x128xi32, #tpu.memory_space<hbm>>
      %dma_start3A_17 = tpu.memref_squeeze %dma_start3A_16 : memref<1x80x128xi32, #tpu.memory_space<hbm>> -> memref<80x128xi32, #tpu.memory_space<hbm>>
      %dma_start3A_18 = arith.constant 0 : i32
      %dma_start3A_19 = arith.constant 0 : i32
      %dma_start3A_20 = tpu.memref_slice %arg4[%add3A, %dma_start3A_18, %dma_start3A_19] : memref<32x80x128xi32, #tpu.memory_space<hbm>> -> memref<1x80x128xi32, #tpu.memory_space<hbm>>
      %dma_start3A_21 = tpu.memref_squeeze %dma_start3A_20 : memref<1x80x128xi32, #tpu.memory_space<hbm>> -> memref<80x128xi32, #tpu.memory_space<hbm>>
      tpu.enqueue_dma source(%dma_start3A_21 : memref<80x128xi32, #tpu.memory_space<hbm>>) target(%arg8 : memref<80x128xi32, #tpu.memory_space<vmem>>) target_semaphore(%run_scoped3A : memref<!tpu.dma_semaphore, #tpu.memory_space<semaphore_mem>>)
      %dma_wait3A = arith.constant 0 : i32
      %dma_wait3A_22 = arith.constant 0 : i32
      %dma_wait3A_23 = tpu.memref_slice %arg4[%add3A, %dma_wait3A, %dma_wait3A_22] : memref<32x80x128xi32, #tpu.memory_space<hbm>> -> memref<1x80x128xi32, #tpu.memory_space<hbm>>
      %dma_wait3A_24 = tpu.memref_squeeze %dma_wait3A_23 : memref<1x80x128xi32, #tpu.memory_space<hbm>> -> memref<80x128xi32, #tpu.memory_space<hbm>>
      %dma_wait3A_25 = arith.constant 0 : i32
      %dma_wait3A_26 = arith.constant 0 : i32
      %dma_wait3A_27 = tpu.memref_slice %arg4[%add3A, %dma_wait3A_25, %dma_wait3A_26] : memref<32x80x128xi32, #tpu.memory_space<hbm>> -> memref<1x80x128xi32, #tpu.memory_space<hbm>>
      %dma_wait3A_28 = tpu.memref_squeeze %dma_wait3A_27 : memref<1x80x128xi32, #tpu.memory_space<hbm>> -> memref<80x128xi32, #tpu.memory_space<hbm>>
      tpu.wait_dma2 semaphore(%run_scoped3A : memref<!tpu.dma_semaphore, #tpu.memory_space<semaphore_mem>>) src(%dma_wait3A_28 : memref<80x128xi32, #tpu.memory_space<hbm>>) dst(%arg8 : memref<80x128xi32, #tpu.memory_space<vmem>>)
      tpu.yield
    }) : () -> ()
    %barrier3A = arith.constant 0 : index
    tpu.barrier barrier_id(%barrier3A)
    %scan3A = arith.constant 0 : i32
    %scan3A_5 = arith.constant 0 : i32
    %scan3A_6 = arith.constant 80 : i32
    %scan3A_7 = arith.addi %scan3A_5, %scan3A_6 : i32
    %scan3A_8 = arith.constant 1 : i32
    scf.for %scan3A_15 = %scan3A_5 to %scan3A_7 step %scan3A_8  : i32 {
      %dma_start3A = arith.constant 0 : i32
      %dma_start3A_16 = tpu.memref_slice %arg7[%scan3A_15, %dma_start3A] : memref<80x128xi32, #tpu.memory_space<vmem>> -> memref<1x128xi32, #tpu.memory_space<vmem>>
      %dma_start3A_17 = tpu.memref_squeeze %dma_start3A_16 : memref<1x128xi32, #tpu.memory_space<vmem>> -> memref<128xi32, #tpu.memory_space<vmem>>
      %dma_start3A_18 = arith.constant 0 : i32
      %dma_start3A_19 = arith.constant 0 : i32
      %dma_start3A_20 = tpu.memref_slice %arg2[%dma_start3A_18, %dma_start3A_19] : memref<10000x64xf32, #tpu.memory_space<hbm>> -> memref<10000x64xf32, #tpu.memory_space<hbm>>
      tpu.enqueue_indirect_dma source(%dma_start3A_20 : memref<10000x64xf32, #tpu.memory_space<hbm>>) target(%arg9 : memref<128x64xf32, #tpu.memory_space<vmem>>) offsets(%dma_start3A_17 : memref<128xi32, #tpu.memory_space<vmem>>) semaphore(%arg14 : memref<!tpu.dma_semaphore, #tpu.memory_space<semaphore_mem>>)
      %dma_wait3A = arith.constant 0 : i32
      %dma_wait3A_21 = tpu.memref_slice %arg7[%scan3A_15, %dma_wait3A] : memref<80x128xi32, #tpu.memory_space<vmem>> -> memref<1x128xi32, #tpu.memory_space<vmem>>
      %dma_wait3A_22 = tpu.memref_squeeze %dma_wait3A_21 : memref<1x128xi32, #tpu.memory_space<vmem>> -> memref<128xi32, #tpu.memory_space<vmem>>
      %dma_wait3A_23 = arith.constant 0 : i32
      %dma_wait3A_24 = arith.constant 0 : i32
      %dma_wait3A_25 = tpu.memref_slice %arg2[%dma_wait3A_23, %dma_wait3A_24] : memref<10000x64xf32, #tpu.memory_space<hbm>> -> memref<10000x64xf32, #tpu.memory_space<hbm>>
      tpu.wait_indirect_dma semaphore(%arg14 : memref<!tpu.dma_semaphore, #tpu.memory_space<semaphore_mem>>) src(%dma_wait3A_25 : memref<10000x64xf32, #tpu.memory_space<hbm>>) dst(%arg9 : memref<128x64xf32, #tpu.memory_space<vmem>>)
    }
    %scan3A_9 = arith.constant 80 : i32
    %barrier3A_10 = arith.constant 0 : index
    tpu.barrier barrier_id(%barrier3A_10)
    %mul3A_11 = arith.constant 632 : i32
    %mul3A_12 = arith.muli %arg1, %mul3A_11 : i32
    %mul3A_13 = arith.constant 632 : i32
    %mul3A_14 = arith.muli %arg1, %mul3A_13 : i32
    "tpu.region"() ({
      %run_scoped3A = tpu.sem_alloc : memref<!tpu.dma_semaphore, #tpu.memory_space<semaphore_mem>>
      %dma_start3A = arith.constant 0 : i32
      %dma_start3A_15 = tpu.memref_slice %arg6[%arg0, %mul3A_14, %dma_start3A] : memref<2x10112x64xf32, #tpu.memory_space<hbm>> -> memref<1x632x64xf32, #tpu.memory_space<hbm>>
      %dma_start3A_16 = tpu.memref_squeeze %dma_start3A_15 : memref<1x632x64xf32, #tpu.memory_space<hbm>> -> memref<632x64xf32, #tpu.memory_space<hbm>>
      %dma_start3A_17 = arith.constant 0 : i32
      %dma_start3A_18 = tpu.memref_slice %arg13[%mul3A_12, %dma_start3A_17] : memref<10112x64xf32, #tpu.memory_space<vmem_shared>> -> memref<632x64xf32, #tpu.memory_space<vmem_shared>>
      tpu.enqueue_dma source(%dma_start3A_18 : memref<632x64xf32, #tpu.memory_space<vmem_shared>>) target(%dma_start3A_16 : memref<632x64xf32, #tpu.memory_space<hbm>>) target_semaphore(%run_scoped3A : memref<!tpu.dma_semaphore, #tpu.memory_space<semaphore_mem>>)
      %dma_wait3A = arith.constant 0 : i32
      %dma_wait3A_19 = tpu.memref_slice %arg6[%arg0, %mul3A_14, %dma_wait3A] : memref<2x10112x64xf32, #tpu.memory_space<hbm>> -> memref<1x632x64xf32, #tpu.memory_space<hbm>>
      %dma_wait3A_20 = tpu.memref_squeeze %dma_wait3A_19 : memref<1x632x64xf32, #tpu.memory_space<hbm>> -> memref<632x64xf32, #tpu.memory_space<hbm>>
      %dma_wait3A_21 = arith.constant 0 : i32
      %dma_wait3A_22 = tpu.memref_slice %arg13[%mul3A_12, %dma_wait3A_21] : memref<10112x64xf32, #tpu.memory_space<vmem_shared>> -> memref<632x64xf32, #tpu.memory_space<vmem_shared>>
      tpu.wait_dma2 semaphore(%run_scoped3A : memref<!tpu.dma_semaphore, #tpu.memory_space<semaphore_mem>>) src(%dma_wait3A_22 : memref<632x64xf32, #tpu.memory_space<vmem_shared>>) dst(%dma_wait3A_20 : memref<632x64xf32, #tpu.memory_space<hbm>>)
      tpu.yield
    }) : () -> ()
    return
  }
}

#map = affine_map<(d0, d1) -> (0, 0)>
#map1 = affine_map<(d0, d1) -> (0, 0, 0)>
module attributes {stable_mosaic.version = 14 : i64} {
  func.func @_sc_agg(%arg0: i32, %arg1: i32, %arg2: memref<10000x64xf32, #tpu.memory_space<hbm>>, %arg3: memref<32x80x128xi32, #tpu.memory_space<hbm>>, %arg4: memref<32x80x128xi32, #tpu.memory_space<hbm>>, %arg5: memref<10112x64xf32, #tpu.memory_space<hbm>>, %arg6: memref<2x10112x64xf32, #tpu.memory_space<hbm>>, %arg7: memref<80x128xi32, #tpu.memory_space<vmem>>, %arg8: memref<80x128xi32, #tpu.memory_space<vmem>>, %arg9: memref<128x64xf32, #tpu.memory_space<vmem>>, %arg10: memref<128x64xf32, #tpu.memory_space<vmem>>, %arg11: memref<128x64xf32, #tpu.memory_space<vmem>>, %arg12: memref<128x64xf32, #tpu.memory_space<vmem>>, %arg13: memref<10112x64xf32, #tpu.memory_space<vmem_shared>>, %arg14: memref<!tpu.dma_semaphore, #tpu.memory_space<semaphore_mem>>, %arg15: memref<!tpu.dma_semaphore, #tpu.memory_space<semaphore_mem>>, %arg16: memref<!tpu.dma_semaphore, #tpu.memory_space<semaphore_mem>>, %arg17: memref<!tpu.dma_semaphore, #tpu.memory_space<semaphore_mem>>, %arg18: memref<!tpu.dma_semaphore, #tpu.memory_space<semaphore_mem>>, %arg19: memref<!tpu.dma_semaphore, #tpu.memory_space<semaphore_mem>>, %arg20: memref<!tpu.dma_semaphore, #tpu.memory_space<semaphore_mem>>, %arg21: memref<!tpu.dma_semaphore, #tpu.memory_space<semaphore_mem>>) attributes {dimension_semantics = [#tpu.dimension_semantics<core_parallel>, #tpu.dimension_semantics<subcore_parallel>], iteration_bounds = array<i64: 2, 16>, scalar_prefetch = 0 : i64, scratch_operands = 15 : i64, tpu.core_type = #tpu.core_type<sc_vector_subcore>, window_params = [{transform_indices = #map}, {transform_indices = #map1}, {transform_indices = #map1}, {transform_indices = #map}, {transform_indices = #map1}]} {
    %mul3A = arith.constant 2 : i32
    %mul3A_0 = arith.muli %arg1, %mul3A : i32
    %add3A = arith.addi %mul3A_0, %arg0 : i32
    %mul3A_1 = arith.constant 632 : i32
    %mul3A_2 = arith.muli %arg1, %mul3A_1 : i32
    %mul3A_3 = arith.constant 632 : i32
    %mul3A_4 = arith.muli %arg1, %mul3A_3 : i32
    "tpu.region"() ({
      %run_scoped3A = tpu.sem_alloc : memref<!tpu.dma_semaphore, #tpu.memory_space<semaphore_mem>>
      %dma_start3A = arith.constant 0 : i32
      %dma_start3A_15 = tpu.memref_slice %arg13[%mul3A_4, %dma_start3A] : memref<10112x64xf32, #tpu.memory_space<vmem_shared>> -> memref<632x64xf32, #tpu.memory_space<vmem_shared>>
      %dma_start3A_16 = arith.constant 0 : i32
      %dma_start3A_17 = tpu.memref_slice %arg5[%mul3A_2, %dma_start3A_16] : memref<10112x64xf32, #tpu.memory_space<hbm>> -> memref<632x64xf32, #tpu.memory_space<hbm>>
      tpu.enqueue_dma source(%dma_start3A_17 : memref<632x64xf32, #tpu.memory_space<hbm>>) target(%dma_start3A_15 : memref<632x64xf32, #tpu.memory_space<vmem_shared>>) target_semaphore(%run_scoped3A : memref<!tpu.dma_semaphore, #tpu.memory_space<semaphore_mem>>)
      %dma_wait3A = arith.constant 0 : i32
      %dma_wait3A_18 = tpu.memref_slice %arg13[%mul3A_4, %dma_wait3A] : memref<10112x64xf32, #tpu.memory_space<vmem_shared>> -> memref<632x64xf32, #tpu.memory_space<vmem_shared>>
      %dma_wait3A_19 = arith.constant 0 : i32
      %dma_wait3A_20 = tpu.memref_slice %arg5[%mul3A_2, %dma_wait3A_19] : memref<10112x64xf32, #tpu.memory_space<hbm>> -> memref<632x64xf32, #tpu.memory_space<hbm>>
      tpu.wait_dma2 semaphore(%run_scoped3A : memref<!tpu.dma_semaphore, #tpu.memory_space<semaphore_mem>>) src(%dma_wait3A_20 : memref<632x64xf32, #tpu.memory_space<hbm>>) dst(%dma_wait3A_18 : memref<632x64xf32, #tpu.memory_space<vmem_shared>>)
      tpu.yield
    }) : () -> ()
    "tpu.region"() ({
      %run_scoped3A = tpu.sem_alloc : memref<!tpu.dma_semaphore, #tpu.memory_space<semaphore_mem>>
      %dma_start3A = arith.constant 0 : i32
      %dma_start3A_15 = arith.constant 0 : i32
      %dma_start3A_16 = tpu.memref_slice %arg3[%add3A, %dma_start3A, %dma_start3A_15] : memref<32x80x128xi32, #tpu.memory_space<hbm>> -> memref<1x80x128xi32, #tpu.memory_space<hbm>>
      %dma_start3A_17 = tpu.memref_squeeze %dma_start3A_16 : memref<1x80x128xi32, #tpu.memory_space<hbm>> -> memref<80x128xi32, #tpu.memory_space<hbm>>
      %dma_start3A_18 = arith.constant 0 : i32
      %dma_start3A_19 = arith.constant 0 : i32
      %dma_start3A_20 = tpu.memref_slice %arg3[%add3A, %dma_start3A_18, %dma_start3A_19] : memref<32x80x128xi32, #tpu.memory_space<hbm>> -> memref<1x80x128xi32, #tpu.memory_space<hbm>>
      %dma_start3A_21 = tpu.memref_squeeze %dma_start3A_20 : memref<1x80x128xi32, #tpu.memory_space<hbm>> -> memref<80x128xi32, #tpu.memory_space<hbm>>
      tpu.enqueue_dma source(%dma_start3A_21 : memref<80x128xi32, #tpu.memory_space<hbm>>) target(%arg7 : memref<80x128xi32, #tpu.memory_space<vmem>>) target_semaphore(%run_scoped3A : memref<!tpu.dma_semaphore, #tpu.memory_space<semaphore_mem>>)
      %dma_wait3A = arith.constant 0 : i32
      %dma_wait3A_22 = arith.constant 0 : i32
      %dma_wait3A_23 = tpu.memref_slice %arg3[%add3A, %dma_wait3A, %dma_wait3A_22] : memref<32x80x128xi32, #tpu.memory_space<hbm>> -> memref<1x80x128xi32, #tpu.memory_space<hbm>>
      %dma_wait3A_24 = tpu.memref_squeeze %dma_wait3A_23 : memref<1x80x128xi32, #tpu.memory_space<hbm>> -> memref<80x128xi32, #tpu.memory_space<hbm>>
      %dma_wait3A_25 = arith.constant 0 : i32
      %dma_wait3A_26 = arith.constant 0 : i32
      %dma_wait3A_27 = tpu.memref_slice %arg3[%add3A, %dma_wait3A_25, %dma_wait3A_26] : memref<32x80x128xi32, #tpu.memory_space<hbm>> -> memref<1x80x128xi32, #tpu.memory_space<hbm>>
      %dma_wait3A_28 = tpu.memref_squeeze %dma_wait3A_27 : memref<1x80x128xi32, #tpu.memory_space<hbm>> -> memref<80x128xi32, #tpu.memory_space<hbm>>
      tpu.wait_dma2 semaphore(%run_scoped3A : memref<!tpu.dma_semaphore, #tpu.memory_space<semaphore_mem>>) src(%dma_wait3A_28 : memref<80x128xi32, #tpu.memory_space<hbm>>) dst(%arg7 : memref<80x128xi32, #tpu.memory_space<vmem>>)
      tpu.yield
    }) : () -> ()
    "tpu.region"() ({
      %run_scoped3A = tpu.sem_alloc : memref<!tpu.dma_semaphore, #tpu.memory_space<semaphore_mem>>
      %dma_start3A = arith.constant 0 : i32
      %dma_start3A_15 = arith.constant 0 : i32
      %dma_start3A_16 = tpu.memref_slice %arg4[%add3A, %dma_start3A, %dma_start3A_15] : memref<32x80x128xi32, #tpu.memory_space<hbm>> -> memref<1x80x128xi32, #tpu.memory_space<hbm>>
      %dma_start3A_17 = tpu.memref_squeeze %dma_start3A_16 : memref<1x80x128xi32, #tpu.memory_space<hbm>> -> memref<80x128xi32, #tpu.memory_space<hbm>>
      %dma_start3A_18 = arith.constant 0 : i32
      %dma_start3A_19 = arith.constant 0 : i32
      %dma_start3A_20 = tpu.memref_slice %arg4[%add3A, %dma_start3A_18, %dma_start3A_19] : memref<32x80x128xi32, #tpu.memory_space<hbm>> -> memref<1x80x128xi32, #tpu.memory_space<hbm>>
      %dma_start3A_21 = tpu.memref_squeeze %dma_start3A_20 : memref<1x80x128xi32, #tpu.memory_space<hbm>> -> memref<80x128xi32, #tpu.memory_space<hbm>>
      tpu.enqueue_dma source(%dma_start3A_21 : memref<80x128xi32, #tpu.memory_space<hbm>>) target(%arg8 : memref<80x128xi32, #tpu.memory_space<vmem>>) target_semaphore(%run_scoped3A : memref<!tpu.dma_semaphore, #tpu.memory_space<semaphore_mem>>)
      %dma_wait3A = arith.constant 0 : i32
      %dma_wait3A_22 = arith.constant 0 : i32
      %dma_wait3A_23 = tpu.memref_slice %arg4[%add3A, %dma_wait3A, %dma_wait3A_22] : memref<32x80x128xi32, #tpu.memory_space<hbm>> -> memref<1x80x128xi32, #tpu.memory_space<hbm>>
      %dma_wait3A_24 = tpu.memref_squeeze %dma_wait3A_23 : memref<1x80x128xi32, #tpu.memory_space<hbm>> -> memref<80x128xi32, #tpu.memory_space<hbm>>
      %dma_wait3A_25 = arith.constant 0 : i32
      %dma_wait3A_26 = arith.constant 0 : i32
      %dma_wait3A_27 = tpu.memref_slice %arg4[%add3A, %dma_wait3A_25, %dma_wait3A_26] : memref<32x80x128xi32, #tpu.memory_space<hbm>> -> memref<1x80x128xi32, #tpu.memory_space<hbm>>
      %dma_wait3A_28 = tpu.memref_squeeze %dma_wait3A_27 : memref<1x80x128xi32, #tpu.memory_space<hbm>> -> memref<80x128xi32, #tpu.memory_space<hbm>>
      tpu.wait_dma2 semaphore(%run_scoped3A : memref<!tpu.dma_semaphore, #tpu.memory_space<semaphore_mem>>) src(%dma_wait3A_28 : memref<80x128xi32, #tpu.memory_space<hbm>>) dst(%arg8 : memref<80x128xi32, #tpu.memory_space<vmem>>)
      tpu.yield
    }) : () -> ()
    %barrier3A = arith.constant 0 : index
    tpu.barrier barrier_id(%barrier3A)
    %scan3A = arith.constant 0 : i32
    %scan3A_5 = arith.constant 0 : i32
    %scan3A_6 = arith.constant 80 : i32
    %scan3A_7 = arith.addi %scan3A_5, %scan3A_6 : i32
    %scan3A_8 = arith.constant 1 : i32
    scf.for %scan3A_15 = %scan3A_5 to %scan3A_7 step %scan3A_8  : i32 {
      %dma_start3A = arith.constant 0 : i32
      %dma_start3A_16 = tpu.memref_slice %arg7[%scan3A_15, %dma_start3A] : memref<80x128xi32, #tpu.memory_space<vmem>> -> memref<1x128xi32, #tpu.memory_space<vmem>>
      %dma_start3A_17 = tpu.memref_squeeze %dma_start3A_16 : memref<1x128xi32, #tpu.memory_space<vmem>> -> memref<128xi32, #tpu.memory_space<vmem>>
      %dma_start3A_18 = arith.constant 0 : i32
      %dma_start3A_19 = arith.constant 0 : i32
      %dma_start3A_20 = tpu.memref_slice %arg2[%dma_start3A_18, %dma_start3A_19] : memref<10000x64xf32, #tpu.memory_space<hbm>> -> memref<10000x64xf32, #tpu.memory_space<hbm>>
      tpu.enqueue_indirect_dma source(%dma_start3A_20 : memref<10000x64xf32, #tpu.memory_space<hbm>>) target(%arg9 : memref<128x64xf32, #tpu.memory_space<vmem>>) offsets(%dma_start3A_17 : memref<128xi32, #tpu.memory_space<vmem>>) semaphore(%arg14 : memref<!tpu.dma_semaphore, #tpu.memory_space<semaphore_mem>>)
      %dma_wait3A = arith.constant 0 : i32
      %dma_wait3A_21 = tpu.memref_slice %arg7[%scan3A_15, %dma_wait3A] : memref<80x128xi32, #tpu.memory_space<vmem>> -> memref<1x128xi32, #tpu.memory_space<vmem>>
      %dma_wait3A_22 = tpu.memref_squeeze %dma_wait3A_21 : memref<1x128xi32, #tpu.memory_space<vmem>> -> memref<128xi32, #tpu.memory_space<vmem>>
      %dma_wait3A_23 = arith.constant 0 : i32
      %dma_wait3A_24 = arith.constant 0 : i32
      %dma_wait3A_25 = tpu.memref_slice %arg2[%dma_wait3A_23, %dma_wait3A_24] : memref<10000x64xf32, #tpu.memory_space<hbm>> -> memref<10000x64xf32, #tpu.memory_space<hbm>>
      tpu.wait_indirect_dma semaphore(%arg14 : memref<!tpu.dma_semaphore, #tpu.memory_space<semaphore_mem>>) src(%dma_wait3A_25 : memref<10000x64xf32, #tpu.memory_space<hbm>>) dst(%arg9 : memref<128x64xf32, #tpu.memory_space<vmem>>)
    }
    %scan3A_9 = arith.constant 80 : i32
    %barrier3A_10 = arith.constant 0 : index
    tpu.barrier barrier_id(%barrier3A_10)
    %mul3A_11 = arith.constant 632 : i32
    %mul3A_12 = arith.muli %arg1, %mul3A_11 : i32
    %mul3A_13 = arith.constant 632 : i32
    %mul3A_14 = arith.muli %arg1, %mul3A_13 : i32
    "tpu.region"() ({
      %run_scoped3A = tpu.sem_alloc : memref<!tpu.dma_semaphore, #tpu.memory_space<semaphore_mem>>
      %dma_start3A = arith.constant 0 : i32
      %dma_start3A_15 = tpu.memref_slice %arg6[%arg0, %mul3A_14, %dma_start3A] : memref<2x10112x64xf32, #tpu.memory_space<hbm>> -> memref<1x632x64xf32, #tpu.memory_space<hbm>>
      %dma_start3A_16 = tpu.memref_squeeze %dma_start3A_15 : memref<1x632x64xf32, #tpu.memory_space<hbm>> -> memref<632x64xf32, #tpu.memory_space<hbm>>
      %dma_start3A_17 = arith.constant 0 : i32
      %dma_start3A_18 = tpu.memref_slice %arg13[%mul3A_12, %dma_start3A_17] : memref<10112x64xf32, #tpu.memory_space<vmem_shared>> -> memref<632x64xf32, #tpu.memory_space<vmem_shared>>
      tpu.enqueue_dma source(%dma_start3A_18 : memref<632x64xf32, #tpu.memory_space<vmem_shared>>) target(%dma_start3A_16 : memref<632x64xf32, #tpu.memory_space<hbm>>) target_semaphore(%run_scoped3A : memref<!tpu.dma_semaphore, #tpu.memory_space<semaphore_mem>>)
      %dma_wait3A = arith.constant 0 : i32
      %dma_wait3A_19 = tpu.memref_slice %arg6[%arg0, %mul3A_14, %dma_wait3A] : memref<2x10112x64xf32, #tpu.memory_space<hbm>> -> memref<1x632x64xf32, #tpu.memory_space<hbm>>
      %dma_wait3A_20 = tpu.memref_squeeze %dma_wait3A_19 : memref<1x632x64xf32, #tpu.memory_space<hbm>> -> memref<632x64xf32, #tpu.memory_space<hbm>>
      %dma_wait3A_21 = arith.constant 0 : i32
      %dma_wait3A_22 = tpu.memref_slice %arg13[%mul3A_12, %dma_wait3A_21] : memref<10112x64xf32, #tpu.memory_space<vmem_shared>> -> memref<632x64xf32, #tpu.memory_space<vmem_shared>>
      tpu.wait_dma2 semaphore(%run_scoped3A : memref<!tpu.dma_semaphore, #tpu.memory_space<semaphore_mem>>) src(%dma_wait3A_22 : memref<632x64xf32, #tpu.memory_space<vmem_shared>>) dst(%dma_wait3A_20 : memref<632x64xf32, #tpu.memory_space<hbm>>)
      tpu.yield
    }) : () -> ()
    return
  }
}

module attributes {stable_mosaic.version = 14 : i64} {
  func.func @_tc_pre(%arg0: memref<10000x128xf32, #tpu.memory_space<vmem>>, %arg1: memref<128x64xf32, #tpu.memory_space<vmem>>, %arg2: memref<128x64xf32, #tpu.memory_space<vmem>>, %arg3: memref<1x64xf32, #tpu.memory_space<vmem>>, %arg4: memref<10000x64xf32, #tpu.memory_space<vmem>>, %arg5: memref<10000x64xf32, #tpu.memory_space<vmem>>) attributes {dimension_semantics = [], scalar_prefetch = 0 : i64, scratch_operands = 0 : i64, tpu.core_type = #tpu.core_type<tc>} {
    %get3A = arith.constant 0 : index
    %get3A_0 = arith.constant 0 : index
    %get3A_1 = vector.load %arg0[%get3A, %get3A_0] : memref<10000x128xf32, #tpu.memory_space<vmem>>, vector<10000x128xf32>
    %get3A_2 = arith.constant 0 : index
    %get3A_3 = arith.constant 0 : index
    %get3A_4 = vector.load %arg1[%get3A_2, %get3A_3] : memref<128x64xf32, #tpu.memory_space<vmem>>, vector<128x64xf32>
    %dot_general3A = arith.constant dense<0.000000e+00> : vector<10000x64xf32>
    %dot_general3A_5 = tpu.matmul %get3A_1, %get3A_4, %dot_general3A {dimension_numbers = #tpu.dot_dimension_numbers<[1], [0], [0], [1], [0, 0, 1, 1], [], []>, transpose_lhs_hint = false} : vector<10000x128xf32>, vector<128x64xf32>, vector<10000x64xf32> -> vector<10000x64xf32>
    %swap3A = arith.constant 0 : index
    %swap3A_6 = arith.constant 0 : index
    %swap3A_7 = vector.load %arg4[%swap3A, %swap3A_6] : memref<10000x64xf32, #tpu.memory_space<vmem>>, vector<10000x64xf32>
    tpu.vector_store %arg4[%swap3A, %swap3A_6], %dot_general3A_5 {strides = array<i32>} : memref<10000x64xf32, #tpu.memory_space<vmem>>, vector<10000x64xf32>,
    %get3A_8 = arith.constant 0 : index
    %get3A_9 = arith.constant 0 : index
    %get3A_10 = vector.load %arg2[%get3A_8, %get3A_9] : memref<128x64xf32, #tpu.memory_space<vmem>>, vector<128x64xf32>
    %dot_general3A_11 = arith.constant dense<0.000000e+00> : vector<10000x64xf32>
    %dot_general3A_12 = tpu.matmul %get3A_1, %get3A_10, %dot_general3A_11 {dimension_numbers = #tpu.dot_dimension_numbers<[1], [0], [0], [1], [0, 0, 1, 1], [], []>, transpose_lhs_hint = false} : vector<10000x128xf32>, vector<128x64xf32>, vector<10000x64xf32> -> vector<10000x64xf32>
    %get3A_13 = arith.constant 0 : index
    %get3A_14 = arith.constant 0 : index
    %get3A_15 = vector.load %arg3[%get3A_13, %get3A_14] : memref<1x64xf32, #tpu.memory_space<vmem>>, vector<1x64xf32>
    %add3A = vector.broadcast %get3A_15 : vector<1x64xf32> to vector<10000x64xf32>
    %add3A_16 = arith.addf %dot_general3A_12, %add3A : vector<10000x64xf32>
    %max3A = arith.constant 0.000000e+00 : f32
    %max3A_17 = vector.broadcast %max3A : f32 to vector<10000x64xf32>
    %max3A_18 = arith.maximumf %add3A_16, %max3A_17 : vector<10000x64xf32>
    %swap3A_19 = arith.constant 0 : index
    %swap3A_20 = arith.constant 0 : index
    %swap3A_21 = vector.load %arg5[%swap3A_19, %swap3A_20] : memref<10000x64xf32, #tpu.memory_space<vmem>>, vector<10000x64xf32>
    tpu.vector_store %arg5[%swap3A_19, %swap3A_20], %max3A_18 {strides = array<i32>} : memref<10000x64xf32, #tpu.memory_space<vmem>>, vector<10000x64xf32>,
    return
  }
}

module attributes {stable_mosaic.version = 14 : i64} {
  func.func @_tc_mid(%arg0: memref<2x10112x64xf32, #tpu.memory_space<vmem>>, %arg1: memref<10000x64xf32, #tpu.memory_space<vmem>>, %arg2: memref<1x64xf32, #tpu.memory_space<vmem>>, %arg3: memref<1x64xf32, #tpu.memory_space<vmem>>, %arg4: memref<1x64xf32, #tpu.memory_space<vmem>>, %arg5: memref<64x64xf32, #tpu.memory_space<vmem>>, %arg6: memref<64x64xf32, #tpu.memory_space<vmem>>, %arg7: memref<1x64xf32, #tpu.memory_space<vmem>>, %arg8: memref<10000x64xf32, #tpu.memory_space<vmem>>, %arg9: memref<10000x64xf32, #tpu.memory_space<vmem>>) attributes {dimension_semantics = [], scalar_prefetch = 0 : i64, scratch_operands = 0 : i64, tpu.core_type = #tpu.core_type<tc>} {
    %get3A = arith.constant 0 : index
    %get3A_0 = arith.constant 0 : index
    %get3A_1 = arith.constant 0 : index
    %get3A_2 = vector.load %arg0[%get3A, %get3A_0, %get3A_1] : memref<2x10112x64xf32, #tpu.memory_space<vmem>>, vector<1x10000x64xf32>
    %get3A_3 = vector.shape_cast %get3A_2 : vector<1x10000x64xf32> to vector<10000x64xf32>
    %get3A_4 = arith.constant 1 : index
    %get3A_5 = arith.constant 0 : index
    %get3A_6 = arith.constant 0 : index
    %get3A_7 = vector.load %arg0[%get3A_4, %get3A_5, %get3A_6] : memref<2x10112x64xf32, #tpu.memory_space<vmem>>, vector<1x10000x64xf32>
    %get3A_8 = vector.shape_cast %get3A_7 : vector<1x10000x64xf32> to vector<10000x64xf32>
    %add3A = arith.addf %get3A_3, %get3A_8 : vector<10000x64xf32>
    %get3A_9 = arith.constant 0 : index
    %get3A_10 = arith.constant 0 : index
    %get3A_11 = vector.load %arg3[%get3A_9, %get3A_10] : memref<1x64xf32, #tpu.memory_space<vmem>>, vector<1x64xf32>
    %get3A_12 = arith.constant 0 : index
    %get3A_13 = arith.constant 0 : index
    %get3A_14 = vector.load %arg2[%get3A_12, %get3A_13] : memref<1x64xf32, #tpu.memory_space<vmem>>, vector<1x64xf32>
    %add3A_15 = vector.broadcast %get3A_14 : vector<1x64xf32> to vector<10000x64xf32>
    %add3A_16 = arith.addf %add3A, %add3A_15 : vector<10000x64xf32>
    %max3A = arith.constant 0.000000e+00 : f32
    %max3A_17 = vector.broadcast %max3A : f32 to vector<10000x64xf32>
    %max3A_18 = arith.maximumf %add3A_16, %max3A_17 : vector<10000x64xf32>
    %get3A_19 = arith.constant 0 : index
    %get3A_20 = arith.constant 0 : index
    %get3A_21 = vector.load %arg1[%get3A_19, %get3A_20] : memref<10000x64xf32, #tpu.memory_space<vmem>>, vector<10000x64xf32>
    %add3A_22 = arith.addf %max3A_18, %get3A_21 : vector<10000x64xf32>
    %mul3A = vector.broadcast %get3A_11 : vector<1x64xf32> to vector<10000x64xf32>
    %mul3A_23 = arith.mulf %mul3A, %add3A_22 : vector<10000x64xf32>
    %get3A_24 = arith.constant 0 : index
    %get3A_25 = arith.constant 0 : index
    %get3A_26 = vector.load %arg4[%get3A_24, %get3A_25] : memref<1x64xf32, #tpu.memory_space<vmem>>, vector<1x64xf32>
    %add3A_27 = vector.broadcast %get3A_26 : vector<1x64xf32> to vector<10000x64xf32>
    %add3A_28 = arith.addf %mul3A_23, %add3A_27 : vector<10000x64xf32>
    %get3A_29 = arith.constant 0 : index
    %get3A_30 = arith.constant 0 : index
    %get3A_31 = vector.load %arg5[%get3A_29, %get3A_30] : memref<64x64xf32, #tpu.memory_space<vmem>>, vector<64x64xf32>
    %dot_general3A = arith.constant dense<0.000000e+00> : vector<10000x64xf32>
    %dot_general3A_32 = tpu.matmul %add3A_28, %get3A_31, %dot_general3A {dimension_numbers = #tpu.dot_dimension_numbers<[1], [0], [0], [1], [0, 0, 1, 1], [], []>, transpose_lhs_hint = false} : vector<10000x64xf32>, vector<64x64xf32>, vector<10000x64xf32> -> vector<10000x64xf32>
    %swap3A = arith.constant 0 : index
    %swap3A_33 = arith.constant 0 : index
    %swap3A_34 = vector.load %arg8[%swap3A, %swap3A_33] : memref<10000x64xf32, #tpu.memory_space<vmem>>, vector<10000x64xf32>
    tpu.vector_store %arg8[%swap3A, %swap3A_33], %dot_general3A_32 {strides = array<i32>} : memref<10000x64xf32, #tpu.memory_space<vmem>>, vector<10000x64xf32>,
    %get3A_35 = arith.constant 0 : index
    %get3A_36 = arith.constant 0 : index
    %get3A_37 = vector.load %arg6[%get3A_35, %get3A_36] : memref<64x64xf32, #tpu.memory_space<vmem>>, vector<64x64xf32>
    %dot_general3A_38 = arith.constant dense<0.000000e+00> : vector<10000x64xf32>
    %dot_general3A_39 = tpu.matmul %add3A_28, %get3A_37, %dot_general3A_38 {dimension_numbers = #tpu.dot_dimension_numbers<[1], [0], [0], [1], [0, 0, 1, 1], [], []>, transpose_lhs_hint = false} : vector<10000x64xf32>, vector<64x64xf32>, vector<10000x64xf32> -> vector<10000x64xf32>
    %get3A_40 = arith.constant 0 : index
    %get3A_41 = arith.constant 0 : index
    %get3A_42 = vector.load %arg7[%get3A_40, %get3A_41] : memref<1x64xf32, #tpu.memory_space<vmem>>, vector<1x64xf32>
    %add3A_43 = vector.broadcast %get3A_42 : vector<1x64xf32> to vector<10000x64xf32>
    %add3A_44 = arith.addf %dot_general3A_39, %add3A_43 : vector<10000x64xf32>
    %max3A_45 = arith.constant 0.000000e+00 : f32
    %max3A_46 = vector.broadcast %max3A_45 : f32 to vector<10000x64xf32>
    %max3A_47 = arith.maximumf %add3A_44, %max3A_46 : vector<10000x64xf32>
    %swap3A_48 = arith.constant 0 : index
    %swap3A_49 = arith.constant 0 : index
    %swap3A_50 = vector.load %arg9[%swap3A_48, %swap3A_49] : memref<10000x64xf32, #tpu.memory_space<vmem>>, vector<10000x64xf32>
    tpu.vector_store %arg9[%swap3A_48, %swap3A_49], %max3A_47 {strides = array<i32>} : memref<10000x64xf32, #tpu.memory_space<vmem>>, vector<10000x64xf32>,
    return
  }
}

module attributes {stable_mosaic.version = 14 : i64} {
  func.func @_tc_post(%arg0: memref<2x10112x64xf32, #tpu.memory_space<vmem>>, %arg1: memref<10000x64xf32, #tpu.memory_space<vmem>>, %arg2: memref<1x64xf32, #tpu.memory_space<vmem>>, %arg3: memref<1x64xf32, #tpu.memory_space<vmem>>, %arg4: memref<1x64xf32, #tpu.memory_space<vmem>>, %arg5: memref<1x64xf32, #tpu.memory_space<vmem>>, %arg6: memref<1x1xf32, #tpu.memory_space<vmem>>, %arg7: memref<128x128xf32, #tpu.memory_space<vmem>>, %arg8: memref<1x128xf32, #tpu.memory_space<vmem>>, %arg9: memref<1x128xf32, #tpu.memory_space<vmem>>, %arg10: memref<1x128xf32, #tpu.memory_space<vmem>>, %arg11: memref<1x128xf32, #tpu.memory_space<vmem>>, %arg12: memref<1x1xf32, #tpu.memory_space<vmem>>, %arg13: memref<1x1xf32, #tpu.memory_space<vmem>>, %arg14: memref<1x128xf32, #tpu.memory_space<vmem>>) attributes {dimension_semantics = [], scalar_prefetch = 0 : i64, scratch_operands = 0 : i64, tpu.core_type = #tpu.core_type<tc>} {
    %get3A = arith.constant 0 : index
    %get3A_0 = arith.constant 0 : index
    %get3A_1 = arith.constant 0 : index
    %get3A_2 = vector.load %arg0[%get3A, %get3A_0, %get3A_1] : memref<2x10112x64xf32, #tpu.memory_space<vmem>>, vector<1x10000x64xf32>
    %get3A_3 = vector.shape_cast %get3A_2 : vector<1x10000x64xf32> to vector<10000x64xf32>
    %get3A_4 = arith.constant 1 : index
    %get3A_5 = arith.constant 0 : index
    %get3A_6 = arith.constant 0 : index
    %get3A_7 = vector.load %arg0[%get3A_4, %get3A_5, %get3A_6] : memref<2x10112x64xf32, #tpu.memory_space<vmem>>, vector<1x10000x64xf32>
    %get3A_8 = vector.shape_cast %get3A_7 : vector<1x10000x64xf32> to vector<10000x64xf32>
    %add3A = arith.addf %get3A_3, %get3A_8 : vector<10000x64xf32>
    %get3A_9 = arith.constant 0 : index
    %get3A_10 = arith.constant 0 : index
    %get3A_11 = vector.load %arg3[%get3A_9, %get3A_10] : memref<1x64xf32, #tpu.memory_space<vmem>>, vector<1x64xf32>
    %get3A_12 = arith.constant 0 : index
    %get3A_13 = arith.constant 0 : index
    %get3A_14 = vector.load %arg2[%get3A_12, %get3A_13] : memref<1x64xf32, #tpu.memory_space<vmem>>, vector<1x64xf32>
    %add3A_15 = vector.broadcast %get3A_14 : vector<1x64xf32> to vector<10000x64xf32>
    %add3A_16 = arith.addf %add3A, %add3A_15 : vector<10000x64xf32>
    %max3A = arith.constant 0.000000e+00 : f32
    %max3A_17 = vector.broadcast %max3A : f32 to vector<10000x64xf32>
    %max3A_18 = arith.maximumf %add3A_16, %max3A_17 : vector<10000x64xf32>
    %get3A_19 = arith.constant 0 : index
    %get3A_20 = arith.constant 0 : index
    %get3A_21 = vector.load %arg1[%get3A_19, %get3A_20] : memref<10000x64xf32, #tpu.memory_space<vmem>>, vector<10000x64xf32>
    %add3A_22 = arith.addf %max3A_18, %get3A_21 : vector<10000x64xf32>
    %mul3A = vector.broadcast %get3A_11 : vector<1x64xf32> to vector<10000x64xf32>
    %mul3A_23 = arith.mulf %mul3A, %add3A_22 : vector<10000x64xf32>
    %get3A_24 = arith.constant 0 : index
    %get3A_25 = arith.constant 0 : index
    %get3A_26 = vector.load %arg4[%get3A_24, %get3A_25] : memref<1x64xf32, #tpu.memory_space<vmem>>, vector<1x64xf32>
    %add3A_27 = vector.broadcast %get3A_26 : vector<1x64xf32> to vector<10000x64xf32>
    %add3A_28 = arith.addf %mul3A_23, %add3A_27 : vector<10000x64xf32>
    %get3A_29 = arith.constant 0 : index
    %get3A_30 = arith.constant 0 : index
    %get3A_31 = vector.load %arg5[%get3A_29, %get3A_30] : memref<1x64xf32, #tpu.memory_space<vmem>>, vector<1x64xf32>
    %mul3A_32 = vector.broadcast %get3A_31 : vector<1x64xf32> to vector<10000x64xf32>
    %mul3A_33 = arith.mulf %add3A_28, %mul3A_32 : vector<10000x64xf32>
    %reduce_sum3A = arith.constant dense<0.000000e+00> : vector<10000xf32>
    %reduce_sum3A_34 = vector.multi_reduction <add>, %mul3A_33, %reduce_sum3A [1] : vector<10000x64xf32> to vector<10000xf32>
    %broadcast_in_dim3A = vector.shape_cast %reduce_sum3A_34 : vector<10000xf32> to vector<10000x1xf32>
    %get3A_35 = arith.constant 0 : index
    %get3A_36 = arith.constant 0 : index
    %get3A_37 = vector.load %arg6[%get3A_35, %get3A_36] : memref<1x1xf32, #tpu.memory_space<vmem>>, vector<1x1xf32>
    %get3A_38 = vector.extract %get3A_37[0, 0] : f32 from vector<1x1xf32>
    %add3A_39 = vector.broadcast %get3A_38 : f32 to vector<10000x1xf32>
    %add3A_40 = arith.addf %broadcast_in_dim3A, %add3A_39 : vector<10000x1xf32>
    %logistic3A = arith.negf %add3A_40 : vector<10000x1xf32>
    %logistic3A_41 = math.exp %logistic3A : vector<10000x1xf32>
    %logistic3A_42 = arith.constant 1.000000e+00 : f32
    %logistic3A_43 = vector.broadcast %logistic3A_42 : f32 to vector<10000x1xf32>
    %logistic3A_44 = arith.addf %logistic3A_43, %logistic3A_41 : vector<10000x1xf32>
    %logistic3A_45 = arith.divf %logistic3A_43, %logistic3A_44 : vector<10000x1xf32>
    %mul3A_46 = vector.broadcast %logistic3A_45 : vector<10000x1xf32> to vector<10000x64xf32>
    %mul3A_47 = arith.mulf %add3A_28, %mul3A_46 : vector<10000x64xf32>
    %reduce_sum3A_48 = arith.constant dense<0.000000e+00> : vector<64xf32>
    %reduce_sum3A_49 = vector.multi_reduction <add>, %mul3A_47, %reduce_sum3A_48 [0] : vector<10000x64xf32> to vector<64xf32>
    %broadcast_in_dim3A_50 = vector.shape_cast %reduce_sum3A_49 : vector<64xf32> to vector<1x64xf32>
    %reduce_max3A = arith.constant dense<0xFF800000> : vector<64xf32>
    %reduce_max3A_51 = vector.multi_reduction <maximumf>, %add3A_28, %reduce_max3A [0] : vector<10000x64xf32> to vector<64xf32>
    %broadcast_in_dim3A_52 = vector.shape_cast %reduce_max3A_51 : vector<64xf32> to vector<1x64xf32>
    %concatenate3A = tpu.concatenate %broadcast_in_dim3A_50, %broadcast_in_dim3A_52 in 1 : vector<1x64xf32>, vector<1x64xf32> -> vector<1x128xf32>
    %swap3A = arith.constant 0 : index
    %swap3A_53 = arith.constant 0 : index
    %swap3A_54 = vector.load %arg14[%swap3A, %swap3A_53] : memref<1x128xf32, #tpu.memory_space<vmem>>, vector<1x128xf32>
    tpu.vector_store %arg14[%swap3A, %swap3A_53], %concatenate3A {strides = array<i32>} : memref<1x128xf32, #tpu.memory_space<vmem>>, vector<1x128xf32>,
    %get3A_55 = arith.constant 0 : index
    %get3A_56 = arith.constant 0 : index
    %get3A_57 = vector.load %arg7[%get3A_55, %get3A_56] : memref<128x128xf32, #tpu.memory_space<vmem>>, vector<128x128xf32>
    %dot_general3A = arith.constant dense<0.000000e+00> : vector<1x128xf32>
    %dot_general3A_58 = tpu.matmul %concatenate3A, %get3A_57, %dot_general3A {dimension_numbers = #tpu.dot_dimension_numbers<[1], [0], [0], [1], [0, 0, 1, 1], [], []>, transpose_lhs_hint = false} : vector<1x128xf32>, vector<128x128xf32>, vector<1x128xf32> -> vector<1x128xf32>
    %get3A_59 = arith.constant 0 : index
    %get3A_60 = arith.constant 0 : index
    %get3A_61 = vector.load %arg8[%get3A_59, %get3A_60] : memref<1x128xf32, #tpu.memory_space<vmem>>, vector<1x128xf32>
    %add3A_62 = arith.addf %dot_general3A_58, %get3A_61 : vector<1x128xf32>
    %max3A_63 = arith.constant 0.000000e+00 : f32
    %max3A_64 = vector.broadcast %max3A_63 : f32 to vector<1x128xf32>
    %max3A_65 = arith.maximumf %add3A_62, %max3A_64 : vector<1x128xf32>
    %get3A_66 = arith.constant 0 : index
    %get3A_67 = arith.constant 0 : index
    %get3A_68 = vector.load %arg9[%get3A_66, %get3A_67] : memref<1x128xf32, #tpu.memory_space<vmem>>, vector<1x128xf32>
    %mul3A_69 = arith.mulf %get3A_68, %max3A_65 : vector<1x128xf32>
    %get3A_70 = arith.constant 0 : index
    %get3A_71 = arith.constant 0 : index
    %get3A_72 = vector.load %arg10[%get3A_70, %get3A_71] : memref<1x128xf32, #tpu.memory_space<vmem>>, vector<1x128xf32>
    %add3A_73 = arith.addf %mul3A_69, %get3A_72 : vector<1x128xf32>
    %get3A_74 = arith.constant 0 : index
    %get3A_75 = arith.constant 0 : index
    %get3A_76 = vector.load %arg11[%get3A_74, %get3A_75] : memref<1x128xf32, #tpu.memory_space<vmem>>, vector<1x128xf32>
    %mul3A_77 = arith.mulf %add3A_73, %get3A_76 : vector<1x128xf32>
    %reduce_sum3A_78 = arith.constant dense<0.000000e+00> : vector<1xf32>
    %reduce_sum3A_79 = vector.multi_reduction <add>, %mul3A_77, %reduce_sum3A_78 [1] : vector<1x128xf32> to vector<1xf32>
    %broadcast_in_dim3A_80 = vector.shape_cast %reduce_sum3A_79 : vector<1xf32> to vector<1x1xf32>
    %get3A_81 = arith.constant 0 : index
    %get3A_82 = arith.constant 0 : index
    %get3A_83 = vector.load %arg12[%get3A_81, %get3A_82] : memref<1x1xf32, #tpu.memory_space<vmem>>, vector<1x1xf32>
    %get3A_84 = vector.extract %get3A_83[0, 0] : f32 from vector<1x1xf32>
    %add3A_85 = vector.broadcast %get3A_84 : f32 to vector<1x1xf32>
    %add3A_86 = arith.addf %broadcast_in_dim3A_80, %add3A_85 : vector<1x1xf32>
    %swap3A_87 = arith.constant 0 : index
    %swap3A_88 = arith.constant 0 : index
    %swap3A_89 = vector.load %arg13[%swap3A_87, %swap3A_88] : memref<1x1xf32, #tpu.memory_space<vmem>>, vector<1x1xf32>
    tpu.vector_store %arg13[%swap3A_87, %swap3A_88], %add3A_86 {strides = array<i32>} : memref<1x1xf32, #tpu.memory_space<vmem>>, vector<1x1xf32>,
    return
  }
}

</mosaic_0001>

<sc_bundles>
// kernel: kernel.10.cloned.1.call-start
scs
__scs_entry_jumppad:
0x0: {  	(pc) =	sbr.rel $0x88, $3  }
0x1: {  	(tag) =	ssettag $0x0;
	lr =	simm.s32 $0x1  }
0x2: {  	[smem:$0x3F8B] =	sst lr;
	_ =	strace $0xD0000000  }
0x3: {  	_ = 	snop  }
0x4: {  	_ = 	snop  }
0x5: {  	_ = 	snop  }
0x6: {  	_ = 	snop  }
0x7: {  	_ = 	snop  }
__scs_overlays_trampoline_lowered:
0x8: {  	[smem:$0x3F9A] =	sst s0  }
0x9: {  	[smem:$0x3F9B] =	sst s1  }
0xa: {  	[smem:$0x3F9C] =	sst s2  }
0xb: {  	[smem:$0x3F9D] =	sst s3  }
0xc: {  	[smem:$0x3F9E] =	sst s4  }
0xd: {  	[smem:$0x3F9F] =	sst s5  }
0xe: {  	[smem:$0x3FA0] =	sst s6  }
0xf: {  	[smem:$0x3FA1] =	sst s7  }
0x10: {  	[smem:$0x3FA2] =	sst s8  }
0x11: {  	[smem:$0x3FA3] =	sst s9;
	s0 =	simm.s32 @!p0 $0x0  }
0x12: {  	s1 =	sld [smem:$0x3F89];
	s0 =	simm.s32 @p0 $0x1  }
0x13: {  	[smem:$0x3FA4] =	sst s0;
	s0 =	simm.s32 @!p1 $0x0  }
0x14: {  	s2 =	sld [smem:$0x3F88];
	s0 =	simm.s32 @p1 $0x1  }
0x15: {  	[smem:$0x3FA5] =	sst s0;
	s0 =	simm.s32 @!p2 $0x0  }
0x16: {  	s3 =	sld [smem:$0x3FDB];
	s0 =	simm.s32 @p2 $0x1  }
0x17: {  	s4 =	simm.s32 $0x1BF5;
	[smem:$0x3FA7] =	sst s0  }
0x18: {  	s0 =	sld [smem:$0x3F8A];
	_ =	swait.ge [sflag:s4], $0x0  }
0x19: {  	s7 =	sld [smem:$0x3F8B]  }
0x1a: {  	s8 =	sadd.s32 $0xFFFFE003, lr  }
0x1b: {  	s9 =	sadd.s32 $0xFFFFFEF7, lr;
	s5 =	simm.s32 $0xFFFFFFFF;
	p2 =	slt.u32 s8, $0xFFFFF086  }
0x1c: {  	p1 =	slt.u32 s9, $0xF7A;
	s5 =	simm.s32 @!p2 $0x0  }
0x1d: {  	s5 =	simm.s32 @p1 $0x1;
	p0 =	seq.s32 s7, s2  }
0x1e: {  	s7 =	smul.u32 @!p0 $0xF7A, s2;
	p2 =	seq.s32 @!p0 s5, $0x0  }
0x1f: {  	s9 =	smul.u32 $0xF7A, s1;
	s8 =	simm.s32 @!p0 $0x1BF5;
	p2 =	por !p2, p0  }
0x20: {  	[sflag:s8] =	ssyncset.s32 @!p0 $0xFFFFF086;
	s6 =	sadd.s32 @!p0 s3, s7;
	s7 =	simm.s32 @!p0 $0x108  }
0x21: {  	s3 =	sadd.s32 s3, s9;
	s6 =	sadd.s32 @!p0 $0x88, s6;
	s7 =	simm.s32 @p2 $0x1082  }
0x22: {  	[simem:s7], [sflag:s8] =	dma.local @!p0 [hbm:s6], $0xF7A  }
0x23: {  	s9 =	sor.u32 $0xD0000000, s2;
	s6 =	simm.s32 $0x108;
	_ =	swait.ge @!p0 [sflag:s8], $0x0  }
0x24: {  	s3 =	sadd.s32 $0x88, s3;
	s6 =	simm.s32 @!p1 $0x1082;
	[sflag:s4] =	ssyncset.s32 $0xFFFFF086  }
0x25: {  	[simem:s6], [sflag:s4] =	dma.local [hbm:s3], $0xF7A  }
0x26: {  	[smem:$0x3F8B] =	sst s1;
	(tag) =	ssettag s2;
	_ =	strace s9  }
0x27: {  	s1 =	sld [smem:$0x3F9B]  }
0x28: {  	s2 =	sld [smem:$0x3F9C]  }
0x29: {  	s4 =	sld [smem:$0x3F9E]  }
0x2a: {  	p0 =	seq.s32 s5, $0x0;
	s5 =	sld [smem:$0x3F9F]  }
0x2b: {  	s6 =	sld [smem:$0x3FA0]  }
0x2c: {  	s7 =	sld [smem:$0x3FA1]  }
0x2d: {  	s3 =	simm.s32 $0x108;
	s8 =	sld [smem:$0x3FA2]  }
0x2e: {  	s3 =	simm.s32 @!p0 $0x1082;
	s9 =	sld [smem:$0x3FA3]  }
0x2f: {  	lr =	sadd.s32 s0, s3;
	s0 =	sld [smem:$0x3F9A]  }
0x30: {  	s3 =	sld [smem:$0x3F9D]  }
0x31: {  	[smem:$0x3FA6] =	sst s10  }
0x32: {  	s10 =	sld [smem:$0x3FA4];
	_ =	sdelay $0x3  }
0x33: {  	p0 =	seq.s32 s10, $0x1;
	s10 =	sld [smem:$0x3FA6];
	_ =	sdelay $0x3  }
0x34: {  	[smem:$0x3FA6] =	sst s10  }
0x35: {  	s10 =	sld [smem:$0x3FA5];
	_ =	sdelay $0x3  }
0x36: {  	p1 =	seq.s32 s10, $0x1;
	s10 =	sld [smem:$0x3FA6];
	_ =	sdelay $0x3  }
0x37: {  	[smem:$0x3FA6] =	sst s10  }
0x38: {  	s10 =	sld [smem:$0x3FA7]  }
0x39: {  	_ = 	snop;
	(pc) =	sbr.ind lr, $3  }
0x3a: {  	_ = 	snop  }
0x3b: {  	_ = 	snop  }
0x3c: {  	p2 =	seq.s32 s10, $0x1;
	s10 =	sld [smem:$0x3FA6]  }
0x3d: {  	_ =	shalt  }
0x3e: {  	_ =	shalt  }
0x3f: {  	_ =	shalt  }
0x40: {  	_ =	shalt  }
0x41: {  	_ =	shalt  }
0x42: {  	_ =	shalt  }
0x43: {  	_ =	shalt  }
0x44: {  	_ =	shalt  }
0x45: {  	_ =	shalt  }
0x46: {  	_ =	shalt  }
0x47: {  	_ =	shalt  }
0x48: {  	_ =	shalt  }
0x49: {  	_ =	shalt  }
0x4a: {  	_ =	shalt  }
0x4b: {  	_ =	shalt  }
0x4c: {  	_ =	shalt  }
0x4d: {  	_ =	shalt  }
0x4e: {  	_ =	shalt  }
0x4f: {  	_ =	shalt  }
0x50: {  	_ =	shalt  }
0x51: {  	_ =	shalt  }
0x52: {  	_ =	shalt  }
0x53: {  	_ =	shalt  }
0x54: {  	_ =	shalt  }
0x55: {  	_ =	shalt  }
0x56: {  	_ =	shalt  }
0x57: {  	_ =	shalt  }
0x58: {  	_ =	shalt  }
0x59: {  	_ =	shalt  }
0x5a: {  	_ =	shalt  }
0x5b: {  	_ =	shalt  }
0x5c: {  	_ =	shalt  }
0x5d: {  	_ =	shalt  }
0x5e: {  	_ =	shalt  }
0x5f: {  	_ =	shalt  }
0x60: {  	_ =	shalt  }
0x61: {  	_ =	shalt  }
0x62: {  	_ =	shalt  }
0x63: {  	_ =	shalt  }
0x64: {  	_ =	shalt  }
0x65: {  	_ =	shalt  }
0x66: {  	_ =	shalt  }
0x67: {  	_ =	shalt  }
0x68: {  	_ =	shalt  }
0x69: {  	_ =	shalt  }
0x6a: {  	_ =	shalt  }
0x6b: {  	_ =	shalt  }
0x6c: {  	_ =	shalt  }
0x6d: {  	_ =	shalt  }
0x6e: {  	_ =	shalt  }
0x6f: {  	_ =	shalt  }
0x70: {  	_ =	shalt  }
0x71: {  	_ =	shalt  }
0x72: {  	_ =	shalt  }
0x73: {  	_ =	shalt  }
0x74: {  	_ =	shalt  }
0x75: {  	_ =	shalt  }
0x76: {  	_ =	shalt  }
0x77: {  	_ =	shalt  }
0x78: {  	_ =	shalt  }
0x79: {  	_ =	shalt  }
0x7a: {  	_ =	shalt  }
0x7b: {  	_ =	shalt  }
0x7c: {  	_ =	shalt  }
0x7d: {  	_ =	shalt  }
0x7e: {  	_ =	shalt  }
0x7f: {  	_ =	shalt  }
0x80: {  	_ =	shalt  }
0x81: {  	_ =	shalt  }
0x82: {  	_ =	shalt  }
0x83: {  	_ =	shalt  }
0x84: {  	_ =	shalt  }
0x85: {  	_ =	shalt  }
0x86: {  	_ =	shalt  }
0x87: {  	_ =	shalt  }
.Lfunc_end0:
.L_simem_size_0:
called_computation.1_lowered:
.L_overlay_start_0:
0x88: {  	s2 =	sld [smem:$0x3FD9]  }
0x89: {  	s3 =	sld [smem:$0x3FFE];
	_ =	sdelay $0x1  }
0x8a: {  	s1 =	srdreg.scid  }
0x8b: {  	s0 =	sand.u32 $0x1, s1  }
0x8c: {  	s16 =	sshll.u32 s0, $0xA;
	s2 =	sadd.s32 s3, s2  }
0x8d: {  	s2 =	sadd.s32 s2, s16  }
0x8e: {  	[smem:$0x3FB2] =	sst s2  }
0x8f: {  	_ = 	snop  }
0x90: {  	(tm) =	ssettm $0x1  }
0x91: {  	s17 =	sld [smem:$0x3FFB];
	_ =	sdelay $0x3  }
0x92: {  	_ =	strace s17  }
0x93: {  	s2 =	sld [smem:$0x3FFC];
	_ =	sdelay $0x3  }
0x94: {  	_ =	strace s2  }
0x95: {  	s2 =	sld [smem:$0x3FFD];
	_ =	sdelay $0x3  }
0x96: {  	_ =	strace s2  }
0x97: {  	_ =	strace $0x8FFFFFFF  }
0x98: {  	s18 =	sld [smem:$0x3FDB];
	_ =	sdelay $0x1  }
0x99: {  	s19 =	simm.s32 $_scs_section_size  }
0x9a: {  	s4 =	simm.s32 $_size__tile_overlayer_lowered;
	s5 =	simm.s32 $_tile_overlayer_lowered  }
0x9b: {  	s22 =	simm.s32 $0x1BFF;
	s21 =	sshll.u32 s5, $0x1;
	s2 =	sadd.s32 s19, s18  }
0x9c: {  	s6 =	simm.s32 $0x0;
	s20 =	sshll.u32 s4, $0x1;
	s4 =	sadd.s32 s21, s2  }
0x9d: {  	[timem:s6], [sflag:s22] =	dma.local [hbm:s4], s20  }
0x9e: {  	_ =	swait.ge [sflag:s22], s20  }
0x9f: {  	s3 =	ssub.s32 $0x0, s20;
	[sflag:s22] =	ssyncset.done $0x0  }
0xa0: {  	[sflag:s22] =	ssyncadd.s32 s3;
	_ =	sdelay $0x1  }
0xa1: {  	s23 =	simm.s32 $0x1B8B  }
0xa2: {  	_ =	swait.ge [sflag:s23], $0x1  }
0xa3: {  	[sflag:s23] =	ssyncset.done $0x0  }
0xa4: {  	s25 =	simm.s32 $0x1B8E;
	s24 =	sld [smem:$0x3FFE];
	[sflag:s23] =	ssyncadd.s32 $0xFFFFFFFF  }
0xa5: {  	s26 =	simm.s32 $execute0_lowered;
	[smem:$0x3FD2] =	sst s25  }
0xa6: {  	s4 =	sshll.u32 s26, $0x1;
	_ =	strace $0x80000049;
	[dreg:$0x1] =	wrdreg $0xFFFFFFFF  }
0xa7: {  	s28 =	simm.s32 $_size_execute0_lowered;
	s2 =	sadd.s32 s2, s4;
	[dreg:$0x0] =	wrdreg $0x0  }
0xa8: {  	s4 =	sshll.u32 s28, $0x1;
	[dreg:$0x2] =	wrdreg s2  }
0xa9: {  	[dreg:$0x3] =	wrdreg s4  }
0xaa: {  	[dreg:$0x4] =	wrdreg $0xC0  }
0xab: {  	_ =	task [dreg:s6], $0x5FFFF  }
0xac: {  	[dreg:$0x1] =	wrdreg $0xFFFFFFFF  }
0xad: {  	[dreg:$0x0] =	wrdreg $0x60  }
0xae: {  	[dreg:$0x2] =	wrdreg s24  }
0xaf: {  	[dreg:$0x3] =	wrdreg $0x70000  }
0xb0: {  	[dreg:$0x4] =	wrdreg $0x9  }
0xb1: {  	_ =	task.clear_ibuf [dreg:s6], $0x5FFFF;
	_ =	strace $0x90000049  }
0xb2: {  	s29 =	simm.s32 $0x9;
	_ =	strace $0x8000004B  }
0xb3: {  	_ =	swait.ge [sflag:s29], $0x1  }
0xb4: {  	[sflag:s29] =	ssyncadd.s32 $0xFFFFFFFF  }
0xb5: {  	_ =	strace $0x9000004B  }
0xb6: {  	_ =	sfence  }
0xb7: {  	s30 =	sld [smem:$0x0];
	_ =	sdelay $0x2  }
0xb8: {  	s31 =	sshll.u32 s1, $0xD;
	s1 =	sshrl.u32 s1, $0x2  }
0xb9: {  	s3 =	sand.u32 $0x4000, s31;
	s1 =	sadd.s32 s1, s30  }
0xba: {  	s0 =	sor.u32 s3, s0;
	s1 =	sshll.u32 s1, $0x11  }
0xbb: {  	s0 =	sor.u32 s1, s0  }
0xbc: {  	s0 =	sadd.s32 $0x8F2B, s0  }
0xbd: {  	[sflag:s0] =	ssyncadd.remote.s32 $0x1  }
0xbe: {  	_ =	sfence.sel $0xFFFF  }
0xbf: {  	[dreg:$0x0] =	wrdreg $0xFFFFFFFF;
	(pc) =	sbr.abs _section_cstart, $3  }
0xc0: {  	[dreg:$0x1] =	wrdreg $0xFFFFFFFF  }
0xc1: {  	_ =	task.clear_ibuf [dreg:s6], $0x2FFFF;
	_ =	strace $0x9FFFFFFF  }
0xc2: {  	(tm) =	ssettm $0x7FFFFFFF  }
0xc3: {  	_ =	shalt  }
tec
execute0_lowered:
.L_overlay_start_1:
0x0: {  	(tag) =	ssettag $0x1  }
0x1: {  	s1 =	srdreg.scid  }
0x2: {  	s0 =	stileid.u32;
	s5 =	rddreg [dreg:$0x0]  }
0x3: {  	s6 =	rddreg [dreg:$0x1];
	s2 =	simm.s32 $0x0;
	s13 =	simm.s32 $0x80  }
0x4: {  	s14 =	simm.s32 $0x5000;
	s15 =	simm.s32 $0x1;
	s16 =	simm.s32 $0x0  }
0x5: {  	s4 =	sand.u32 $0x1, s1;
	s30 =	sshll.u32 s0, $0x1;
	s8 =	smul.u32 $0x9E00, s0  }
0x6: {  	[smem:$0x7FF] =	sst s2;
	s3 =	sadd.s32 $0x2800, s5;
	s31 =	sshll.u32 s0, $0x6  }
0x7: {  	s1 =	sor.u32 s4, s30;
	s9 =	smul.u32 $0x9E000, s4;
	s4 =	ssub.s32 $0x2, s4  }
0x8: {  	s7 =	smul.u32 $0x500, s1;
	s1 =	rddreg [dreg:$0x2];
	_ =	strace $0x8000004A  }
0x9: {  	s10 =	sshrl.u32 s8, $0x3;
	s11 =	sshrl.u32 s4, $0x1;
	s12 =	sadd.s32 s8, s6  }
0xa: {  	s9 =	sadd.s32 s8, s9;
	s10 =	sadd.s32 s10, s5;
	s11 =	ssub.s32 s4, s11  }
0xb: {  	s7 =	sadd.s32 s7, s5;
	s9 =	sshrl.u32 s9, $0x3;
	s4 =	sadd.s32 $0x2A200, s10  }
0xc: {  	s10 =	sshrl.u32 s12, $0x3;
	s12 =	simm.s32 $0x2800;
	s9 =	sadd.s32 s9, s5  }
0xd: {  	s5 =	sor.u32 $0x1C02, s31;
	s6 =	sadd.s32 $0x20200, s7;
	s7 =	sadd.s32 $0x16200, s7  }
0xe: {  	s8 =	sadd.s32 $0x3DE00, s9;
	s9 =	smax.u32 s11, $0x1;
	s11 =	simm.s32 $0x2  }
.LBB2_1:
0xf: {  	[spmem:s10], [sflag:s5] =	dma.local [hbm:s4], $0x13C0  }
0x10: {  	_ =	swait.ge [sflag:s11], $0x13C0  }
0x11: {  	[sflag:s11] =	ssyncset.done $0x0  }
0x12: {  	[sflag:s11] =	ssyncadd.s32 $0xFFFFEC40  }
0x13: {  	[tilespmem:s2], [sflag:$0x2] =	stream.linear.gather [hbm4b:s6+s2], $0x2800, $0x38;
	[tilespmem:$0x10E00] =	vst v63  }
0x14: {  	_ =	swait.ge [sflag:s11], $0x2800  }
0x15: {  	[sflag:s11] =	ssyncset.done $0x0  }
0x16: {  	[sflag:s11] =	ssyncadd.s32 $0xFFFFD800  }
0x17: {  	[tilespmem:s12], [sflag:$0x2] =	stream.linear.gather [hbm4b:s7+s2], $0x2800, $0x38;
	[tilespmem:$0x10E00] =	vst v63  }
0x18: {  	_ =	swait.ge [sflag:s11], $0x2800  }
0x19: {  	[sflag:s11] =	ssyncset.done $0x0  }
0x1a: {  	[sflag:s11] =	ssyncadd.s32 $0xFFFFD800  }
0x1b: {  	s17 =	simm.s32 $0x0;
	[bflag:$0x0] =	sbarrier.arrive $0xFFFF  }
0x1c: {  	[tilespmem:s14], [sflag:$0x1] =	stream.indirect.gather [hbm4b:s3+s13], $0x40, s17, s13, $0xb8;
	[tilespmem:$0x10E00] =	vst v63  }
0x1d: {  	_ =	swait.ge [sflag:s15], $0x2000  }
0x1e: {  	s17 =	simm.s32 $0x200;
	[sflag:s15] =	ssyncset.done $0x0  }
.LBB2_2:
0x1f: {  	s18 =	sshra.s32 s17, $0x2;
	[sflag:s15] =	ssyncadd.s32 $0xFFFFE000;
	p0 =	sne.s32 s17, $0x9E00  }
0x20: {  	[tilespmem:s14], [sflag:$0x1] =	stream.indirect.gather [hbm4b:s3+s13], $0x40, s18, s13, $0xb8;
	[tilespmem:$0x10E00] =	vst v63  }
.Ltmp0:
0x21: {  	_ = 	snop;
	(pc) =	sbr.rel @p0 .LBB2_2-.Ltmp0, $4  }
0x22: {  	_ = 	snop  }
0x23: {  	s17 =	sadd.s32 $0x200, s17  }
0x24: {  	_ =	swait.ge [sflag:s15], $0x2000  }
0x25: {  	[sflag:s15] =	ssyncset.done $0x0  }
0x26: {  	s16 =	sadd.s32 $0x1, s16  }
0x27: {  	[sflag:s15] =	ssyncadd.s32 $0xFFFFE000;
	p0 =	sne.s32 s16, s9  }
.Ltmp1:
0x28: {  	[bflag:$0x0] =	sbarrier.arrive $0xFFFF;
	(pc) =	sbr.rel @p0 .LBB2_1-.Ltmp1, $4  }
0x29: {  	[hbm:s8], [sflag:s5] =	dma.local [spmem:s10], $0x13C0  }
0x2a: {  	_ =	swait.ge [sflag:s11], $0x13C0  }
0x2b: {  	[sflag:s11] =	ssyncset.done $0x0  }
0x2c: {  	[sflag:s11] =	ssyncadd.s32 $0xFFFFEC40  }
0x2d: {  	_ =	sfence.sel $0x180000  }
0x2e: {  	[bflag:$0x0] =	sbarrier.arrive $0xFFFF  }
0x2f: {  	p0 =	sne.s32 s0, $0x0;
	_ =	strace $0x9000004A  }
0x30: {  	s0 =	sadd.s32 @!p0 $0x100000, s1;
	[bflag:$0x2] =	sbarrier.arrive $0xFFFF  }
0x31: {  	[sflag:s0] =	ssyncadd.tile.s32 @!p0 $0x1;
	_ =	shalt  }
.Lfunc_end2:
_tile_overlayer_lowered:
.L_overlay_start_2:
0x32: {  	(tag) =	ssettag $0x2  }
0x33: {  	s0 =	rddreg [dreg:$0x0];
	s2 =	stileid.u32  }
0x34: {  	s1 =	rddreg [dreg:$0x1];
	p0 =	sne.s32 s2, $0x0  }
0x35: {  	s3 =	rddreg [dreg:$0x2];
	[bflag:$0x3] =	sbarrier.arrive $0xFFFF;
	s2 =	simm.s32 @!p0 $0x1C02  }
0x36: {  	[timem:s3], [sflag:s2] =	dma.local @!p0 [hbm:s0], s1  }
0x37: {  	s0 =	simm.s32 @!p0 $0x2  }
0x38: {  	_ =	swait.ge @!p0 [sflag:s0], s1  }
0x39: {  	s1 =	ssub.s32 @!p0 $0x0, s1;
	[sflag:s0] =	ssyncset.done @!p0 $0x0  }
0x3a: {  	[sflag:s0] =	ssyncadd.s32 @!p0 s1  }
0x3b: {  	[bflag:$0x3] =	sbarrier.arrive $0xFFFF  }
0x3c: {  	_ =	shalt  }

// kernel: kernel.7.cloned.1.call-start
scs
__scs_entry_jumppad:
0x0: {  	(pc) =	sbr.rel $0x88, $3  }
0x1: {  	(tag) =	ssettag $0x0;
	lr =	simm.s32 $0x1  }
0x2: {  	[smem:$0x3F8B] =	sst lr;
	_ =	strace $0xD0000000  }
0x3: {  	_ = 	snop  }
0x4: {  	_ = 	snop  }
0x5: {  	_ = 	snop  }
0x6: {  	_ = 	snop  }
0x7: {  	_ = 	snop  }
__scs_overlays_trampoline_lowered:
0x8: {  	[smem:$0x3F9A] =	sst s0  }
0x9: {  	[smem:$0x3F9B] =	sst s1  }
0xa: {  	[smem:$0x3F9C] =	sst s2  }
0xb: {  	[smem:$0x3F9D] =	sst s3  }
0xc: {  	[smem:$0x3F9E] =	sst s4  }
0xd: {  	[smem:$0x3F9F] =	sst s5  }
0xe: {  	[smem:$0x3FA0] =	sst s6  }
0xf: {  	[smem:$0x3FA1] =	sst s7  }
0x10: {  	[smem:$0x3FA2] =	sst s8  }
0x11: {  	[smem:$0x3FA3] =	sst s9;
	s0 =	simm.s32 @!p0 $0x0  }
0x12: {  	s1 =	sld [smem:$0x3F89];
	s0 =	simm.s32 @p0 $0x1  }
0x13: {  	[smem:$0x3FA4] =	sst s0;
	s0 =	simm.s32 @!p1 $0x0  }
0x14: {  	s2 =	sld [smem:$0x3F88];
	s0 =	simm.s32 @p1 $0x1  }
0x15: {  	[smem:$0x3FA5] =	sst s0;
	s0 =	simm.s32 @!p2 $0x0  }
0x16: {  	s3 =	sld [smem:$0x3FDB];
	s0 =	simm.s32 @p2 $0x1  }
0x17: {  	s4 =	simm.s32 $0x1BF5;
	[smem:$0x3FA7] =	sst s0  }
0x18: {  	s0 =	sld [smem:$0x3F8A];
	_ =	swait.ge [sflag:s4], $0x0  }
0x19: {  	s7 =	sld [smem:$0x3F8B]  }
0x1a: {  	s8 =	sadd.s32 $0xFFFFE003, lr  }
0x1b: {  	s9 =	sadd.s32 $0xFFFFFEF7, lr;
	s5 =	simm.s32 $0xFFFFFFFF;
	p2 =	slt.u32 s8, $0xFFFFF086  }
0x1c: {  	p1 =	slt.u32 s9, $0xF7A;
	s5 =	simm.s32 @!p2 $0x0  }
0x1d: {  	s5 =	simm.s32 @p1 $0x1;
	p0 =	seq.s32 s7, s2  }
0x1e: {  	s7 =	smul.u32 @!p0 $0xF7A, s2;
	p2 =	seq.s32 @!p0 s5, $0x0  }
0x1f: {  	s9 =	smul.u32 $0xF7A, s1;
	s8 =	simm.s32 @!p0 $0x1BF5;
	p2 =	por !p2, p0  }
0x20: {  	[sflag:s8] =	ssyncset.s32 @!p0 $0xFFFFF086;
	s6 =	sadd.s32 @!p0 s3, s7;
	s7 =	simm.s32 @!p0 $0x108  }
0x21: {  	s3 =	sadd.s32 s3, s9;
	s6 =	sadd.s32 @!p0 $0x88, s6;
	s7 =	simm.s32 @p2 $0x1082  }
0x22: {  	[simem:s7], [sflag:s8] =	dma.local @!p0 [hbm:s6], $0xF7A  }
0x23: {  	s9 =	sor.u32 $0xD0000000, s2;
	s6 =	simm.s32 $0x108;
	_ =	swait.ge @!p0 [sflag:s8], $0x0  }
0x24: {  	s3 =	sadd.s32 $0x88, s3;
	s6 =	simm.s32 @!p1 $0x1082;
	[sflag:s4] =	ssyncset.s32 $0xFFFFF086  }
0x25: {  	[simem:s6], [sflag:s4] =	dma.local [hbm:s3], $0xF7A  }
0x26: {  	[smem:$0x3F8B] =	sst s1;
	(tag) =	ssettag s2;
	_ =	strace s9  }
0x27: {  	s1 =	sld [smem:$0x3F9B]  }
0x28: {  	s2 =	sld [smem:$0x3F9C]  }
0x29: {  	s4 =	sld [smem:$0x3F9E]  }
0x2a: {  	p0 =	seq.s32 s5, $0x0;
	s5 =	sld [smem:$0x3F9F]  }
0x2b: {  	s6 =	sld [smem:$0x3FA0]  }
0x2c: {  	s7 =	sld [smem:$0x3FA1]  }
0x2d: {  	s3 =	simm.s32 $0x108;
	s8 =	sld [smem:$0x3FA2]  }
0x2e: {  	s3 =	simm.s32 @!p0 $0x1082;
	s9 =	sld [smem:$0x3FA3]  }
0x2f: {  	lr =	sadd.s32 s0, s3;
	s0 =	sld [smem:$0x3F9A]  }
0x30: {  	s3 =	sld [smem:$0x3F9D]  }
0x31: {  	[smem:$0x3FA6] =	sst s10  }
0x32: {  	s10 =	sld [smem:$0x3FA4];
	_ =	sdelay $0x3  }
0x33: {  	p0 =	seq.s32 s10, $0x1;
	s10 =	sld [smem:$0x3FA6];
	_ =	sdelay $0x3  }
0x34: {  	[smem:$0x3FA6] =	sst s10  }
0x35: {  	s10 =	sld [smem:$0x3FA5];
	_ =	sdelay $0x3  }
0x36: {  	p1 =	seq.s32 s10, $0x1;
	s10 =	sld [smem:$0x3FA6];
	_ =	sdelay $0x3  }
0x37: {  	[smem:$0x3FA6] =	sst s10  }
0x38: {  	s10 =	sld [smem:$0x3FA7]  }
0x39: {  	_ = 	snop;
	(pc) =	sbr.ind lr, $3  }
0x3a: {  	_ = 	snop  }
0x3b: {  	_ = 	snop  }
0x3c: {  	p2 =	seq.s32 s10, $0x1;
	s10 =	sld [smem:$0x3FA6]  }
0x3d: {  	_ =	shalt  }
0x3e: {  	_ =	shalt  }
0x3f: {  	_ =	shalt  }
0x40: {  	_ =	shalt  }
0x41: {  	_ =	shalt  }
0x42: {  	_ =	shalt  }
0x43: {  	_ =	shalt  }
0x44: {  	_ =	shalt  }
0x45: {  	_ =	shalt  }
0x46: {  	_ =	shalt  }
0x47: {  	_ =	shalt  }
0x48: {  	_ =	shalt  }
0x49: {  	_ =	shalt  }
0x4a: {  	_ =	shalt  }
0x4b: {  	_ =	shalt  }
0x4c: {  	_ =	shalt  }
0x4d: {  	_ =	shalt  }
0x4e: {  	_ =	shalt  }
0x4f: {  	_ =	shalt  }
0x50: {  	_ =	shalt  }
0x51: {  	_ =	shalt  }
0x52: {  	_ =	shalt  }
0x53: {  	_ =	shalt  }
0x54: {  	_ =	shalt  }
0x55: {  	_ =	shalt  }
0x56: {  	_ =	shalt  }
0x57: {  	_ =	shalt  }
0x58: {  	_ =	shalt  }
0x59: {  	_ =	shalt  }
0x5a: {  	_ =	shalt  }
0x5b: {  	_ =	shalt  }
0x5c: {  	_ =	shalt  }
0x5d: {  	_ =	shalt  }
0x5e: {  	_ =	shalt  }
0x5f: {  	_ =	shalt  }
0x60: {  	_ =	shalt  }
0x61: {  	_ =	shalt  }
0x62: {  	_ =	shalt  }
0x63: {  	_ =	shalt  }
0x64: {  	_ =	shalt  }
0x65: {  	_ =	shalt  }
0x66: {  	_ =	shalt  }
0x67: {  	_ =	shalt  }
0x68: {  	_ =	shalt  }
0x69: {  	_ =	shalt  }
0x6a: {  	_ =	shalt  }
0x6b: {  	_ =	shalt  }
0x6c: {  	_ =	shalt  }
0x6d: {  	_ =	shalt  }
0x6e: {  	_ =	shalt  }
0x6f: {  	_ =	shalt  }
0x70: {  	_ =	shalt  }
0x71: {  	_ =	shalt  }
0x72: {  	_ =	shalt  }
0x73: {  	_ =	shalt  }
0x74: {  	_ =	shalt  }
0x75: {  	_ =	shalt  }
0x76: {  	_ =	shalt  }
0x77: {  	_ =	shalt  }
0x78: {  	_ =	shalt  }
0x79: {  	_ =	shalt  }
0x7a: {  	_ =	shalt  }
0x7b: {  	_ =	shalt  }
0x7c: {  	_ =	shalt  }
0x7d: {  	_ =	shalt  }
0x7e: {  	_ =	shalt  }
0x7f: {  	_ =	shalt  }
0x80: {  	_ =	shalt  }
0x81: {  	_ =	shalt  }
0x82: {  	_ =	shalt  }
0x83: {  	_ =	shalt  }
0x84: {  	_ =	shalt  }
0x85: {  	_ =	shalt  }
0x86: {  	_ =	shalt  }
0x87: {  	_ =	shalt  }
.Lfunc_end0:
.L_simem_size_0:
called_computation_lowered:
.L_overlay_start_0:
0x88: {  	s2 =	sld [smem:$0x3FD9]  }
0x89: {  	s3 =	sld [smem:$0x3FFE];
	_ =	sdelay $0x1  }
0x8a: {  	s1 =	srdreg.scid  }
0x8b: {  	s0 =	sand.u32 $0x1, s1  }
0x8c: {  	s16 =	sshll.u32 s0, $0xA;
	s2 =	sadd.s32 s3, s2  }
0x8d: {  	s2 =	sadd.s32 s2, s16  }
0x8e: {  	[smem:$0x3FB2] =	sst s2  }
0x8f: {  	_ = 	snop  }
0x90: {  	(tm) =	ssettm $0x1  }
0x91: {  	s17 =	sld [smem:$0x3FFB];
	_ =	sdelay $0x3  }
0x92: {  	_ =	strace s17  }
0x93: {  	s2 =	sld [smem:$0x3FFC];
	_ =	sdelay $0x3  }
0x94: {  	_ =	strace s2  }
0x95: {  	s2 =	sld [smem:$0x3FFD];
	_ =	sdelay $0x3  }
0x96: {  	_ =	strace s2  }
0x97: {  	_ =	strace $0x8FFFFFFF  }
0x98: {  	s18 =	sld [smem:$0x3FDB];
	_ =	sdelay $0x1  }
0x99: {  	s19 =	simm.s32 $_scs_section_size  }
0x9a: {  	s4 =	simm.s32 $_size__tile_overlayer_lowered;
	s5 =	simm.s32 $_tile_overlayer_lowered  }
0x9b: {  	s22 =	simm.s32 $0x1BFF;
	s21 =	sshll.u32 s5, $0x1;
	s2 =	sadd.s32 s19, s18  }
0x9c: {  	s6 =	simm.s32 $0x0;
	s20 =	sshll.u32 s4, $0x1;
	s4 =	sadd.s32 s21, s2  }
0x9d: {  	[timem:s6], [sflag:s22] =	dma.local [hbm:s4], s20  }
0x9e: {  	_ =	swait.ge [sflag:s22], s20  }
0x9f: {  	s3 =	ssub.s32 $0x0, s20;
	[sflag:s22] =	ssyncset.done $0x0  }
0xa0: {  	[sflag:s22] =	ssyncadd.s32 s3;
	_ =	sdelay $0x1  }
0xa1: {  	s23 =	simm.s32 $0x1B8B  }
0xa2: {  	_ =	swait.ge [sflag:s23], $0x1  }
0xa3: {  	[sflag:s23] =	ssyncset.done $0x0  }
0xa4: {  	s25 =	simm.s32 $0x1B8E;
	s24 =	sld [smem:$0x3FFE];
	[sflag:s23] =	ssyncadd.s32 $0xFFFFFFFF  }
0xa5: {  	s26 =	simm.s32 $execute0_lowered;
	[smem:$0x3FD2] =	sst s25  }
0xa6: {  	s4 =	sshll.u32 s26, $0x1;
	_ =	strace $0x80000046;
	[dreg:$0x1] =	wrdreg $0xFFFFFFFF  }
0xa7: {  	s28 =	simm.s32 $_size_execute0_lowered;
	s2 =	sadd.s32 s2, s4;
	[dreg:$0x0] =	wrdreg $0x0  }
0xa8: {  	s4 =	sshll.u32 s28, $0x1;
	[dreg:$0x2] =	wrdreg s2  }
0xa9: {  	[dreg:$0x3] =	wrdreg s4  }
0xaa: {  	[dreg:$0x4] =	wrdreg $0xC0  }
0xab: {  	_ =	task [dreg:s6], $0x5FFFF  }
0xac: {  	[dreg:$0x1] =	wrdreg $0xFFFFFFFF  }
0xad: {  	[dreg:$0x0] =	wrdreg $0x60  }
0xae: {  	[dreg:$0x2] =	wrdreg s24  }
0xaf: {  	[dreg:$0x3] =	wrdreg $0x70000  }
0xb0: {  	[dreg:$0x4] =	wrdreg $0x9  }
0xb1: {  	_ =	task.clear_ibuf [dreg:s6], $0x5FFFF;
	_ =	strace $0x90000046  }
0xb2: {  	s29 =	simm.s32 $0x9;
	_ =	strace $0x80000048  }
0xb3: {  	_ =	swait.ge [sflag:s29], $0x1  }
0xb4: {  	[sflag:s29] =	ssyncadd.s32 $0xFFFFFFFF  }
0xb5: {  	_ =	strace $0x90000048  }
0xb6: {  	_ =	sfence  }
0xb7: {  	s30 =	sld [smem:$0x0];
	_ =	sdelay $0x2  }
0xb8: {  	s31 =	sshll.u32 s1, $0xD;
	s1 =	sshrl.u32 s1, $0x2  }
0xb9: {  	s3 =	sand.u32 $0x4000, s31;
	s1 =	sadd.s32 s1, s30  }
0xba: {  	s0 =	sor.u32 s3, s0;
	s1 =	sshll.u32 s1, $0x11  }
0xbb: {  	s0 =	sor.u32 s1, s0  }
0xbc: {  	s0 =	sadd.s32 $0x8F2B, s0  }
0xbd: {  	[sflag:s0] =	ssyncadd.remote.s32 $0x1  }
0xbe: {  	_ =	sfence.sel $0xFFFF  }
0xbf: {  	[dreg:$0x0] =	wrdreg $0xFFFFFFFF;
	(pc) =	sbr.abs _section_cstart, $3  }
0xc0: {  	[dreg:$0x1] =	wrdreg $0xFFFFFFFF  }
0xc1: {  	_ =	task.clear_ibuf [dreg:s6], $0x2FFFF;
	_ =	strace $0x9FFFFFFF  }
0xc2: {  	(tm) =	ssettm $0x7FFFFFFF  }
0xc3: {  	_ =	shalt  }
tec
execute0_lowered:
.L_overlay_start_1:
0x0: {  	(tag) =	ssettag $0x1  }
0x1: {  	s1 =	srdreg.scid  }
0x2: {  	s0 =	stileid.u32;
	s5 =	rddreg [dreg:$0x0]  }
0x3: {  	s6 =	rddreg [dreg:$0x1];
	s2 =	simm.s32 $0x0;
	s13 =	simm.s32 $0x80  }
0x4: {  	s14 =	simm.s32 $0x5000;
	s15 =	simm.s32 $0x1;
	s16 =	simm.s32 $0x0  }
0x5: {  	s4 =	sand.u32 $0x1, s1;
	s30 =	sshll.u32 s0, $0x1;
	s8 =	smul.u32 $0x9E00, s0  }
0x6: {  	[smem:$0x7FF] =	sst s2;
	s3 =	sadd.s32 $0x2800, s5;
	s31 =	sshll.u32 s0, $0x6  }
0x7: {  	s1 =	sor.u32 s4, s30;
	s9 =	smul.u32 $0x9E000, s4;
	s4 =	ssub.s32 $0x2, s4  }
0x8: {  	s7 =	smul.u32 $0x500, s1;
	s1 =	rddreg [dreg:$0x2];
	_ =	strace $0x80000047  }
0x9: {  	s10 =	sshrl.u32 s8, $0x3;
	s11 =	sshrl.u32 s4, $0x1;
	s12 =	sadd.s32 s8, s6  }
0xa: {  	s9 =	sadd.s32 s8, s9;
	s10 =	sadd.s32 s10, s5;
	s11 =	ssub.s32 s4, s11  }
0xb: {  	s7 =	sadd.s32 s7, s5;
	s9 =	sshrl.u32 s9, $0x3;
	s4 =	sadd.s32 $0x2A200, s10  }
0xc: {  	s10 =	sshrl.u32 s12, $0x3;
	s12 =	simm.s32 $0x2800;
	s9 =	sadd.s32 s9, s5  }
0xd: {  	s5 =	sor.u32 $0x1C02, s31;
	s6 =	sadd.s32 $0x20200, s7;
	s7 =	sadd.s32 $0x16200, s7  }
0xe: {  	s8 =	sadd.s32 $0x3DE00, s9;
	s9 =	smax.u32 s11, $0x1;
	s11 =	simm.s32 $0x2  }
.LBB2_1:
0xf: {  	[spmem:s10], [sflag:s5] =	dma.local [hbm:s4], $0x13C0  }
0x10: {  	_ =	swait.ge [sflag:s11], $0x13C0  }
0x11: {  	[sflag:s11] =	ssyncset.done $0x0  }
0x12: {  	[sflag:s11] =	ssyncadd.s32 $0xFFFFEC40  }
0x13: {  	[tilespmem:s2], [sflag:$0x2] =	stream.linear.gather [hbm4b:s6+s2], $0x2800, $0x38;
	[tilespmem:$0x10E00] =	vst v63  }
0x14: {  	_ =	swait.ge [sflag:s11], $0x2800  }
0x15: {  	[sflag:s11] =	ssyncset.done $0x0  }
0x16: {  	[sflag:s11] =	ssyncadd.s32 $0xFFFFD800  }
0x17: {  	[tilespmem:s12], [sflag:$0x2] =	stream.linear.gather [hbm4b:s7+s2], $0x2800, $0x38;
	[tilespmem:$0x10E00] =	vst v63  }
0x18: {  	_ =	swait.ge [sflag:s11], $0x2800  }
0x19: {  	[sflag:s11] =	ssyncset.done $0x0  }
0x1a: {  	[sflag:s11] =	ssyncadd.s32 $0xFFFFD800  }
0x1b: {  	s17 =	simm.s32 $0x0;
	[bflag:$0x0] =	sbarrier.arrive $0xFFFF  }
0x1c: {  	[tilespmem:s14], [sflag:$0x1] =	stream.indirect.gather [hbm4b:s3+s13], $0x40, s17, s13, $0xb8;
	[tilespmem:$0x10E00] =	vst v63  }
0x1d: {  	_ =	swait.ge [sflag:s15], $0x2000  }
0x1e: {  	s17 =	simm.s32 $0x200;
	[sflag:s15] =	ssyncset.done $0x0  }
.LBB2_2:
0x1f: {  	s18 =	sshra.s32 s17, $0x2;
	[sflag:s15] =	ssyncadd.s32 $0xFFFFE000;
	p0 =	sne.s32 s17, $0x9E00  }
0x20: {  	[tilespmem:s14], [sflag:$0x1] =	stream.indirect.gather [hbm4b:s3+s13], $0x40, s18, s13, $0xb8;
	[tilespmem:$0x10E00] =	vst v63  }
.Ltmp0:
0x21: {  	_ = 	snop;
	(pc) =	sbr.rel @p0 .LBB2_2-.Ltmp0, $4  }
0x22: {  	_ = 	snop  }
0x23: {  	s17 =	sadd.s32 $0x200, s17  }
0x24: {  	_ =	swait.ge [sflag:s15], $0x2000  }
0x25: {  	[sflag:s15] =	ssyncset.done $0x0  }
0x26: {  	s16 =	sadd.s32 $0x1, s16  }
0x27: {  	[sflag:s15] =	ssyncadd.s32 $0xFFFFE000;
	p0 =	sne.s32 s16, s9  }
.Ltmp1:
0x28: {  	[bflag:$0x0] =	sbarrier.arrive $0xFFFF;
	(pc) =	sbr.rel @p0 .LBB2_1-.Ltmp1, $4  }
0x29: {  	[hbm:s8], [sflag:s5] =	dma.local [spmem:s10], $0x13C0  }
0x2a: {  	_ =	swait.ge [sflag:s11], $0x13C0  }
0x2b: {  	[sflag:s11] =	ssyncset.done $0x0  }
0x2c: {  	[sflag:s11] =	ssyncadd.s32 $0xFFFFEC40  }
0x2d: {  	_ =	sfence.sel $0x180000  }
0x2e: {  	[bflag:$0x0] =	sbarrier.arrive $0xFFFF  }
0x2f: {  	p0 =	sne.s32 s0, $0x0;
	_ =	strace $0x90000047  }
0x30: {  	s0 =	sadd.s32 @!p0 $0x100000, s1;
	[bflag:$0x2] =	sbarrier.arrive $0xFFFF  }
0x31: {  	[sflag:s0] =	ssyncadd.tile.s32 @!p0 $0x1;
	_ =	shalt  }
.Lfunc_end2:
_tile_overlayer_lowered:
.L_overlay_start_2:
0x32: {  	(tag) =	ssettag $0x2  }
0x33: {  	s0 =	rddreg [dreg:$0x0];
	s2 =	stileid.u32  }
0x34: {  	s1 =	rddreg [dreg:$0x1];
	p0 =	sne.s32 s2, $0x0  }
0x35: {  	s3 =	rddreg [dreg:$0x2];
	[bflag:$0x3] =	sbarrier.arrive $0xFFFF;
	s2 =	simm.s32 @!p0 $0x1C02  }
0x36: {  	[timem:s3], [sflag:s2] =	dma.local @!p0 [hbm:s0], s1  }
0x37: {  	s0 =	simm.s32 @!p0 $0x2  }
0x38: {  	_ =	swait.ge @!p0 [sflag:s0], s1  }
0x39: {  	s1 =	ssub.s32 @!p0 $0x0, s1;
	[sflag:s0] =	ssyncset.done @!p0 $0x0  }
0x3a: {  	[sflag:s0] =	ssyncadd.s32 @!p0 s1  }
0x3b: {  	[bflag:$0x3] =	sbarrier.arrive $0xFFFF  }
0x3c: {  	_ =	shalt  }

</sc_bundles>
